<compile_context>
chip_gen: v7x
topology: tpu7x:2x2x1
jax: 0.10.2.dev20260603
libtpu: 0.0.44.dev20260713+nightly
codegen_flags: <defaults>
</compile_context>

<pallas_src>
import functools

import jax
import jax.numpy as jnp
from jax import lax
from jax.experimental import pallas as pl
from jax.experimental.pallas import tpu as pltpu
from jax.experimental.pallas import tpu_sc as plsc

ROWS = 128
N = 32768
KTOP = 16
L = 16
NC, NS = 2, 16
NWORKERS = NC * NS
ROWS_PER_W = ROWS // NWORKERS

GCH = 8
GSZ = GCH * L
NGROUPS = N // GSZ
NB = NGROUPS * L
NBCH = NB // L

_NEG = float("-inf")


def _neg16():
    return jnp.full((L,), _NEG, jnp.float32)


def _merge16(top_asc, v):
    v_desc = lax.rev(jnp.sort(v), (0,))
    h = jnp.maximum(top_asc, v_desc)
    return jnp.sort(h)


_mesh = plsc.VectorSubcoreMesh(core_axis_name="c", subcore_axis_name="s")


@functools.partial(
    pl.kernel,
    out_type=jax.ShapeDtypeStruct((ROWS, KTOP), jnp.float32),
    mesh=_mesh,
    scratch_types=[
        pltpu.VMEM((2 * N,), jnp.float32),
        pltpu.VMEM((NB,), jnp.float32),
        pltpu.VMEM((NB + L,), jnp.float32),
        pltpu.VMEM((NB + L,), jnp.int32),
        pltpu.VMEM((KTOP,), jnp.float32),
        pltpu.SemaphoreType.DMA,
    ],
    compiler_params=pltpu.CompilerParams(needs_layout_passes=False),
)
def _topk_sc(in_hbm, out_hbm, buf2, gmax, candv, candi, outv, sem):
    wid = lax.axis_index("s") * NC + lax.axis_index("c")
    iot = lax.iota(jnp.int32, L)
    r0 = wid * ROWS_PER_W

    pltpu.async_copy(in_hbm.at[r0], buf2.at[pl.ds(0, N)], sem)

    def row_body(j, _):
        r = r0 + j
        bbase = (j % 2) * N
        buf = buf2.at[pl.ds(bbase, N)]
        pltpu.make_async_copy(in_hbm.at[r], buf, sem).wait()

        @pl.when(j + 1 < ROWS_PER_W)
        def _prefetch():
            pltpu.async_copy(
                in_hbm.at[r + 1],
                buf2.at[pl.ds(((j + 1) % 2) * N, N)],
                sem,
            )

        def p1(g, acc):
            base = g * GSZ
            c = [buf[pl.ds(base + k * L, L)] for k in range(GCH)]
            m01 = jnp.maximum(c[0], c[1])
            m23 = jnp.maximum(c[2], c[3])
            m45 = jnp.maximum(c[4], c[5])
            m67 = jnp.maximum(c[6], c[7])
            gacc = jnp.maximum(jnp.maximum(m01, m23), jnp.maximum(m45, m67))
            gmax[pl.ds(g * L, L)] = gacc
            return jnp.maximum(acc, gacc)

        acc = lax.fori_loop(0, NGROUPS, p1, _neg16(), unroll=2)
        t0 = jnp.min(acc)

        def p2(i, off):
            v = gmax[pl.ds(i * L, L)]
            m = v >= t0
            plsc.store_compressed(candv.at[pl.ds(off, L)], v, mask=m)
            plsc.store_compressed(candi.at[pl.ds(off, L)], iot + i * L, mask=m)
            return off + plsc.all_reduce_population_count(m)[0]

        off = lax.fori_loop(0, NBCH, p2, jnp.int32(0), unroll=2)

        candv[pl.ds(off, L)] = _neg16()
        candi[pl.ds(off, L)] = jnp.zeros((L,), jnp.int32)
        nch = (off + (L - 1)) // L

        def msel(i, carry):
            tk, tv = carry
            sk, si = plsc.sort_key_val(
                candv[pl.ds(i * L, L)], candi[pl.ds(i * L, L)], descending=True
            )
            m = tk >= sk
            hk = jnp.where(m, tk, sk)
            hv = jnp.where(m, tv, si)
            hk2, hv2 = plsc.sort_key_val(hk, hv, descending=False)
            return hk2, hv2

        _, bidx = lax.fori_loop(
            0, nch, msel, (_neg16(), jnp.zeros((L,), jnp.int32))
        )

        bucket_base = bbase + (bidx // L) * GSZ + (bidx % L)
        top = _neg16()
        for k in range(GCH):
            vk = plsc.load_gather(buf2, [bucket_base + k * L])
            top = _merge16(top, vk)

        outv[...] = lax.rev(top, (0,))
        pltpu.sync_copy(outv, out_hbm.at[r])
        return jnp.int32(0)

    lax.fori_loop(0, ROWS_PER_W, row_body, jnp.int32(0))


def kernel(inputs):
    return _topk_sc(inputs)

# --- scband reference (transcript-rebuilt; emitter-appended) ---
"""Pipeline reference for scband-kmax-pooling-25958782337098 (READ-ONLY COPY).

The authoritative reference and input builder live on the scoring server;
editing this copy changes nothing except your own understanding.
"""

import jax, jax.numpy as jnp
import numpy as np

K = 16
AXIS = 1


def setup_inputs(seed: int = 0) -> dict:
    key = jax.random.key(seed)
    inputs = jax.random.normal(key, (128, 32768), dtype=jnp.float32)
    return {"inputs": inputs}


def reference(inputs):
    dims = inputs.ndim
    perm = list(range(dims))
    perm[-1], perm[AXIS] = perm[AXIS], perm[-1]
    shifted_input = jnp.transpose(inputs, perm)
    top_k = jax.lax.top_k(shifted_input, K)[0]
    output = jnp.transpose(top_k, perm)
    return output

if __name__ == "__main__":
    import jax
    _d = setup_inputs()
    print(jax.jit(kernel)(*tuple(_d.values())))

</pallas_src>

<mosaic_0001>
#map = affine_map<(d0, d1) -> (0, 0)>
module attributes {stable_mosaic.version = 14 : i64} {
  func.func @_topk_sc(%arg0: i32, %arg1: i32, %arg2: memref<128x32768xf32, #tpu.memory_space<hbm>>, %arg3: memref<128x16xf32, #tpu.memory_space<hbm>>, %arg4: memref<65536xf32, #tpu.memory_space<vmem>>, %arg5: memref<4096xf32, #tpu.memory_space<vmem>>, %arg6: memref<4112xf32, #tpu.memory_space<vmem>>, %arg7: memref<4112xi32, #tpu.memory_space<vmem>>, %arg8: memref<16xf32, #tpu.memory_space<vmem>>, %arg9: memref<!tpu.dma_semaphore, #tpu.memory_space<semaphore_mem>>) attributes {dimension_semantics = [#tpu.dimension_semantics<core_parallel>, #tpu.dimension_semantics<subcore_parallel>], iteration_bounds = array<i64: 2, 16>, scalar_prefetch = 0 : i64, scratch_operands = 6 : i64, tpu.core_type = #tpu.core_type<sc_vector_subcore>, window_params = [{transform_indices = #map}, {transform_indices = #map}]} {
    %mul3A = arith.constant 2 : i32
    %mul3A_0 = arith.muli %arg1, %mul3A : i32
    %add3A = arith.addi %mul3A_0, %arg0 : i32
    %iota3A = tpu.iota {dimensions = array<i32: 0>} : vector<16xi32>
    %mul3A_1 = arith.constant 4 : i32
    %mul3A_2 = arith.muli %add3A, %mul3A_1 : i32
    %dma_start3A = arith.constant 0 : i32
    %dma_start3A_3 = tpu.memref_slice %arg4[%dma_start3A] : memref<65536xf32, #tpu.memory_space<vmem>> -> memref<32768xf32, #tpu.memory_space<vmem>>
    %dma_start3A_4 = arith.constant 0 : i32
    %dma_start3A_5 = tpu.memref_slice %arg2[%mul3A_2, %dma_start3A_4] : memref<128x32768xf32, #tpu.memory_space<hbm>> -> memref<1x32768xf32, #tpu.memory_space<hbm>>
    %dma_start3A_6 = tpu.memref_squeeze %dma_start3A_5 : memref<1x32768xf32, #tpu.memory_space<hbm>> -> memref<32768xf32, #tpu.memory_space<hbm>>
    %dma_start3A_7 = arith.constant 0 : i32
    %dma_start3A_8 = tpu.memref_slice %arg4[%dma_start3A_7] : memref<65536xf32, #tpu.memory_space<vmem>> -> memref<32768xf32, #tpu.memory_space<vmem>>
    %dma_start3A_9 = arith.constant 0 : i32
    %dma_start3A_10 = tpu.memref_slice %arg2[%mul3A_2, %dma_start3A_9] : memref<128x32768xf32, #tpu.memory_space<hbm>> -> memref<1x32768xf32, #tpu.memory_space<hbm>>
    %dma_start3A_11 = tpu.memref_squeeze %dma_start3A_10 : memref<1x32768xf32, #tpu.memory_space<hbm>> -> memref<32768xf32, #tpu.memory_space<hbm>>
    tpu.enqueue_dma source(%dma_start3A_11 : memref<32768xf32, #tpu.memory_space<hbm>>) target(%dma_start3A_8 : memref<32768xf32, #tpu.memory_space<vmem>>) target_semaphore(%arg9 : memref<!tpu.dma_semaphore, #tpu.memory_space<semaphore_mem>>)
    %scan3A = arith.constant 0 : i32
    %scan3A_12 = arith.constant 0 : i32
    %scan3A_13 = arith.constant 4 : i32
    %scan3A_14 = arith.addi %scan3A_12, %scan3A_13 : i32
    %scan3A_15 = arith.constant 1 : i32
    %scan3A_16 = scf.for %scan3A_18 = %scan3A_12 to %scan3A_14 step %scan3A_15 iter_args(%scan3A_19 = %scan3A) -> (i32)  : i32 {
      %add3A_20 = arith.addi %mul3A_2, %scan3A_18 : i32
      %jit3A = arith.constant 2 : i32
      %eq3A = arith.constant 0 : i32
      %eq3A_21 = arith.cmpi eq, %jit3A, %eq3A : i32
      %jit3A_22 = arith.constant 1 : i32
      %select_n3A = arith.select %eq3A_21, %jit3A_22, %jit3A : i32
      %rem3A = arith.remsi %scan3A_18, %select_n3A : i32
      %ne3A = arith.constant 0 : i32
      %ne3A_23 = arith.cmpi ne, %rem3A, %ne3A : i32
      %lt3A = arith.constant 0 : i32
      %lt3A_24 = arith.cmpi slt, %rem3A, %lt3A : i32
      %lt3A_25 = arith.constant 0 : i32
      %lt3A_26 = arith.cmpi slt, %select_n3A, %lt3A_25 : i32
      %ne3A_27 = arith.xori %lt3A_24, %lt3A_26 : i1
      %and3A = arith.andi %ne3A_27, %ne3A_23 : i1
      %add3A_28 = arith.addi %rem3A, %select_n3A : i32
      %select_n3A_29 = arith.select %and3A, %add3A_28, %rem3A : i32
      %mul3A_30 = arith.constant 32768 : i32
      %mul3A_31 = arith.muli %select_n3A_29, %mul3A_30 : i32
      %dma_wait3A = tpu.memref_slice %arg4[%mul3A_31] : memref<65536xf32, #tpu.memory_space<vmem>> -> memref<32768xf32, #tpu.memory_space<vmem>>
      %dma_wait3A_32 = arith.constant 0 : i32
      %dma_wait3A_33 = tpu.memref_slice %arg2[%add3A_20, %dma_wait3A_32] : memref<128x32768xf32, #tpu.memory_space<hbm>> -> memref<1x32768xf32, #tpu.memory_space<hbm>>
      %dma_wait3A_34 = tpu.memref_squeeze %dma_wait3A_33 : memref<1x32768xf32, #tpu.memory_space<hbm>> -> memref<32768xf32, #tpu.memory_space<hbm>>
      %dma_wait3A_35 = tpu.memref_slice %arg4[%mul3A_31] : memref<65536xf32, #tpu.memory_space<vmem>> -> memref<32768xf32, #tpu.memory_space<vmem>>
      %dma_wait3A_36 = arith.constant 0 : i32
      %dma_wait3A_37 = tpu.memref_slice %arg2[%add3A_20, %dma_wait3A_36] : memref<128x32768xf32, #tpu.memory_space<hbm>> -> memref<1x32768xf32, #tpu.memory_space<hbm>>
      %dma_wait3A_38 = tpu.memref_squeeze %dma_wait3A_37 : memref<1x32768xf32, #tpu.memory_space<hbm>> -> memref<32768xf32, #tpu.memory_space<hbm>>
      tpu.wait_dma2 semaphore(%arg9 : memref<!tpu.dma_semaphore, #tpu.memory_space<semaphore_mem>>) src(%dma_wait3A_38 : memref<32768xf32, #tpu.memory_space<hbm>>) dst(%dma_wait3A_35 : memref<32768xf32, #tpu.memory_space<vmem>>)
      %add3A_39 = arith.constant 1 : i32
      %add3A_40 = arith.addi %scan3A_18, %add3A_39 : i32
      %lt3A_41 = arith.constant 4 : i32
      %lt3A_42 = arith.cmpi slt, %add3A_40, %lt3A_41 : i32
      %convert_element_type3A = arith.extui %lt3A_42 : i1 to i32
      %cond3A = arith.constant 0 : i32
      %cond3A_43 = arith.cmpi ne, %convert_element_type3A, %cond3A : i32
      scf.if %cond3A_43 {
        %add3A_314 = arith.constant 1 : i32
        %add3A_315 = arith.addi %add3A_20, %add3A_314 : i32
        %add3A_316 = arith.constant 1 : i32
        %add3A_317 = arith.addi %scan3A_18, %add3A_316 : i32
        %jit3A_318 = arith.constant 2 : i32
        %eq3A_319 = arith.constant 0 : i32
        %eq3A_320 = arith.cmpi eq, %jit3A_318, %eq3A_319 : i32
        %jit3A_321 = arith.constant 1 : i32
        %select_n3A_322 = arith.select %eq3A_320, %jit3A_321, %jit3A_318 : i32
        %rem3A_323 = arith.remsi %add3A_317, %select_n3A_322 : i32
        %ne3A_324 = arith.constant 0 : i32
        %ne3A_325 = arith.cmpi ne, %rem3A_323, %ne3A_324 : i32
        %lt3A_326 = arith.constant 0 : i32
        %lt3A_327 = arith.cmpi slt, %rem3A_323, %lt3A_326 : i32
        %lt3A_328 = arith.constant 0 : i32
        %lt3A_329 = arith.cmpi slt, %select_n3A_322, %lt3A_328 : i32
        %ne3A_330 = arith.xori %lt3A_327, %lt3A_329 : i1
        %and3A_331 = arith.andi %ne3A_330, %ne3A_325 : i1
        %add3A_332 = arith.addi %rem3A_323, %select_n3A_322 : i32
        %select_n3A_333 = arith.select %and3A_331, %add3A_332, %rem3A_323 : i32
        %mul3A_334 = arith.constant 32768 : i32
        %mul3A_335 = arith.muli %select_n3A_333, %mul3A_334 : i32
        %dma_start3A_336 = tpu.memref_slice %arg4[%mul3A_335] : memref<65536xf32, #tpu.memory_space<vmem>> -> memref<32768xf32, #tpu.memory_space<vmem>>
        %dma_start3A_337 = arith.constant 0 : i32
        %dma_start3A_338 = tpu.memref_slice %arg2[%add3A_315, %dma_start3A_337] : memref<128x32768xf32, #tpu.memory_space<hbm>> -> memref<1x32768xf32, #tpu.memory_space<hbm>>
        %dma_start3A_339 = tpu.memref_squeeze %dma_start3A_338 : memref<1x32768xf32, #tpu.memory_space<hbm>> -> memref<32768xf32, #tpu.memory_space<hbm>>
        %dma_start3A_340 = tpu.memref_slice %arg4[%mul3A_335] : memref<65536xf32, #tpu.memory_space<vmem>> -> memref<32768xf32, #tpu.memory_space<vmem>>
        %dma_start3A_341 = arith.constant 0 : i32
        %dma_start3A_342 = tpu.memref_slice %arg2[%add3A_315, %dma_start3A_341] : memref<128x32768xf32, #tpu.memory_space<hbm>> -> memref<1x32768xf32, #tpu.memory_space<hbm>>
        %dma_start3A_343 = tpu.memref_squeeze %dma_start3A_342 : memref<1x32768xf32, #tpu.memory_space<hbm>> -> memref<32768xf32, #tpu.memory_space<hbm>>
        tpu.enqueue_dma source(%dma_start3A_343 : memref<32768xf32, #tpu.memory_space<hbm>>) target(%dma_start3A_340 : memref<32768xf32, #tpu.memory_space<vmem>>) target_semaphore(%arg9 : memref<!tpu.dma_semaphore, #tpu.memory_space<semaphore_mem>>)
      } else {
      }
      %broadcast_in_dim3A = arith.constant 0xFF800000 : f32
      %broadcast_in_dim3A_44 = vector.broadcast %broadcast_in_dim3A : f32 to vector<16xf32>
      %scan3A_45 = arith.constant 0 : i32
      %scan3A_46 = arith.constant 256 : i32
      %scan3A_47 = arith.addi %scan3A_45, %scan3A_46 : i32
      %scan3A_48 = arith.constant 2 : i32
      %scan3A_49 = scf.for %scan3A_314 = %scan3A_45 to %scan3A_47 step %scan3A_48 iter_args(%scan3A_315 = %broadcast_in_dim3A_44) -> (vector<16xf32>)  : i32 {
        %mul3A_316 = arith.constant 128 : i32
        %mul3A_317 = arith.muli %scan3A_314, %mul3A_316 : i32
        %add3A_318 = arith.constant 0 : i32
        %add3A_319 = arith.addi %mul3A_317, %add3A_318 : i32
        %get3A = tpu.memref_slice %arg4[%mul3A_31] : memref<65536xf32, #tpu.memory_space<vmem>> -> memref<32768xf32, #tpu.memory_space<vmem>>
        %get3A_320 = arith.index_cast %add3A_319 : i32 to index
        %get3A_321 = tpu.vector_load %get3A[%get3A_320] {strides = array<i32>} : memref<32768xf32, #tpu.memory_space<vmem>>, vector<16xf32>,
        %add3A_322 = arith.constant 16 : i32
        %add3A_323 = arith.addi %mul3A_317, %add3A_322 : i32
        %get3A_324 = tpu.memref_slice %arg4[%mul3A_31] : memref<65536xf32, #tpu.memory_space<vmem>> -> memref<32768xf32, #tpu.memory_space<vmem>>
        %get3A_325 = arith.index_cast %add3A_323 : i32 to index
        %get3A_326 = tpu.vector_load %get3A_324[%get3A_325] {strides = array<i32>} : memref<32768xf32, #tpu.memory_space<vmem>>, vector<16xf32>,
        %add3A_327 = arith.constant 32 : i32
        %add3A_328 = arith.addi %mul3A_317, %add3A_327 : i32
        %get3A_329 = tpu.memref_slice %arg4[%mul3A_31] : memref<65536xf32, #tpu.memory_space<vmem>> -> memref<32768xf32, #tpu.memory_space<vmem>>
        %get3A_330 = arith.index_cast %add3A_328 : i32 to index
        %get3A_331 = tpu.vector_load %get3A_329[%get3A_330] {strides = array<i32>} : memref<32768xf32, #tpu.memory_space<vmem>>, vector<16xf32>,
        %add3A_332 = arith.constant 48 : i32
        %add3A_333 = arith.addi %mul3A_317, %add3A_332 : i32
        %get3A_334 = tpu.memref_slice %arg4[%mul3A_31] : memref<65536xf32, #tpu.memory_space<vmem>> -> memref<32768xf32, #tpu.memory_space<vmem>>
        %get3A_335 = arith.index_cast %add3A_333 : i32 to index
        %get3A_336 = tpu.vector_load %get3A_334[%get3A_335] {strides = array<i32>} : memref<32768xf32, #tpu.memory_space<vmem>>, vector<16xf32>,
        %add3A_337 = arith.constant 64 : i32
        %add3A_338 = arith.addi %mul3A_317, %add3A_337 : i32
        %get3A_339 = tpu.memref_slice %arg4[%mul3A_31] : memref<65536xf32, #tpu.memory_space<vmem>> -> memref<32768xf32, #tpu.memory_space<vmem>>
        %get3A_340 = arith.index_cast %add3A_338 : i32 to index
        %get3A_341 = tpu.vector_load %get3A_339[%get3A_340] {strides = array<i32>} : memref<32768xf32, #tpu.memory_space<vmem>>, vector<16xf32>,
        %add3A_342 = arith.constant 80 : i32
        %add3A_343 = arith.addi %mul3A_317, %add3A_342 : i32
        %get3A_344 = tpu.memref_slice %arg4[%mul3A_31] : memref<65536xf32, #tpu.memory_space<vmem>> -> memref<32768xf32, #tpu.memory_space<vmem>>
        %get3A_345 = arith.index_cast %add3A_343 : i32 to index
        %get3A_346 = tpu.vector_load %get3A_344[%get3A_345] {strides = array<i32>} : memref<32768xf32, #tpu.memory_space<vmem>>, vector<16xf32>,
        %add3A_347 = arith.constant 96 : i32
        %add3A_348 = arith.addi %mul3A_317, %add3A_347 : i32
        %get3A_349 = tpu.memref_slice %arg4[%mul3A_31] : memref<65536xf32, #tpu.memory_space<vmem>> -> memref<32768xf32, #tpu.memory_space<vmem>>
        %get3A_350 = arith.index_cast %add3A_348 : i32 to index
        %get3A_351 = tpu.vector_load %get3A_349[%get3A_350] {strides = array<i32>} : memref<32768xf32, #tpu.memory_space<vmem>>, vector<16xf32>,
        %add3A_352 = arith.constant 112 : i32
        %add3A_353 = arith.addi %mul3A_317, %add3A_352 : i32
        %get3A_354 = tpu.memref_slice %arg4[%mul3A_31] : memref<65536xf32, #tpu.memory_space<vmem>> -> memref<32768xf32, #tpu.memory_space<vmem>>
        %get3A_355 = arith.index_cast %add3A_353 : i32 to index
        %get3A_356 = tpu.vector_load %get3A_354[%get3A_355] {strides = array<i32>} : memref<32768xf32, #tpu.memory_space<vmem>>, vector<16xf32>,
        %max3A_357 = arith.maximumf %get3A_321, %get3A_326 : vector<16xf32>
        %max3A_358 = arith.maximumf %get3A_331, %get3A_336 : vector<16xf32>
        %max3A_359 = arith.maximumf %get3A_341, %get3A_346 : vector<16xf32>
        %max3A_360 = arith.maximumf %get3A_351, %get3A_356 : vector<16xf32>
        %max3A_361 = arith.maximumf %max3A_357, %max3A_358 : vector<16xf32>
        %max3A_362 = arith.maximumf %max3A_359, %max3A_360 : vector<16xf32>
        %max3A_363 = arith.maximumf %max3A_361, %max3A_362 : vector<16xf32>
        %mul3A_364 = arith.constant 16 : i32
        %mul3A_365 = arith.muli %scan3A_314, %mul3A_364 : i32
        %swap3A_366 = arith.index_cast %mul3A_365 : i32 to index
        %swap3A_367 = tpu.vector_load %arg5[%swap3A_366] {strides = array<i32>} : memref<4096xf32, #tpu.memory_space<vmem>>, vector<16xf32>,
        tpu.vector_store %arg5[%swap3A_366], %max3A_363 {strides = array<i32>} : memref<4096xf32, #tpu.memory_space<vmem>>, vector<16xf32>,
        %max3A_368 = arith.maximumf %scan3A_315, %max3A_363 : vector<16xf32>
        %scan3A_369 = arith.constant 1 : i32
        %scan3A_370 = arith.addi %scan3A_314, %scan3A_369 : i32
        %mul3A_371 = arith.constant 128 : i32
        %mul3A_372 = arith.muli %scan3A_370, %mul3A_371 : i32
        %add3A_373 = arith.constant 0 : i32
        %add3A_374 = arith.addi %mul3A_372, %add3A_373 : i32
        %get3A_375 = tpu.memref_slice %arg4[%mul3A_31] : memref<65536xf32, #tpu.memory_space<vmem>> -> memref<32768xf32, #tpu.memory_space<vmem>>
        %get3A_376 = arith.index_cast %add3A_374 : i32 to index
        %get3A_377 = tpu.vector_load %get3A_375[%get3A_376] {strides = array<i32>} : memref<32768xf32, #tpu.memory_space<vmem>>, vector<16xf32>,
        %add3A_378 = arith.constant 16 : i32
        %add3A_379 = arith.addi %mul3A_372, %add3A_378 : i32
        %get3A_380 = tpu.memref_slice %arg4[%mul3A_31] : memref<65536xf32, #tpu.memory_space<vmem>> -> memref<32768xf32, #tpu.memory_space<vmem>>
        %get3A_381 = arith.index_cast %add3A_379 : i32 to index
        %get3A_382 = tpu.vector_load %get3A_380[%get3A_381] {strides = array<i32>} : memref<32768xf32, #tpu.memory_space<vmem>>, vector<16xf32>,
        %add3A_383 = arith.constant 32 : i32
        %add3A_384 = arith.addi %mul3A_372, %add3A_383 : i32
        %get3A_385 = tpu.memref_slice %arg4[%mul3A_31] : memref<65536xf32, #tpu.memory_space<vmem>> -> memref<32768xf32, #tpu.memory_space<vmem>>
        %get3A_386 = arith.index_cast %add3A_384 : i32 to index
        %get3A_387 = tpu.vector_load %get3A_385[%get3A_386] {strides = array<i32>} : memref<32768xf32, #tpu.memory_space<vmem>>, vector<16xf32>,
        %add3A_388 = arith.constant 48 : i32
        %add3A_389 = arith.addi %mul3A_372, %add3A_388 : i32
        %get3A_390 = tpu.memref_slice %arg4[%mul3A_31] : memref<65536xf32, #tpu.memory_space<vmem>> -> memref<32768xf32, #tpu.memory_space<vmem>>
        %get3A_391 = arith.index_cast %add3A_389 : i32 to index
        %get3A_392 = tpu.vector_load %get3A_390[%get3A_391] {strides = array<i32>} : memref<32768xf32, #tpu.memory_space<vmem>>, vector<16xf32>,
        %add3A_393 = arith.constant 64 : i32
        %add3A_394 = arith.addi %mul3A_372, %add3A_393 : i32
        %get3A_395 = tpu.memref_slice %arg4[%mul3A_31] : memref<65536xf32, #tpu.memory_space<vmem>> -> memref<32768xf32, #tpu.memory_space<vmem>>
        %get3A_396 = arith.index_cast %add3A_394 : i32 to index
        %get3A_397 = tpu.vector_load %get3A_395[%get3A_396] {strides = array<i32>} : memref<32768xf32, #tpu.memory_space<vmem>>, vector<16xf32>,
        %add3A_398 = arith.constant 80 : i32
        %add3A_399 = arith.addi %mul3A_372, %add3A_398 : i32
        %get3A_400 = tpu.memref_slice %arg4[%mul3A_31] : memref<65536xf32, #tpu.memory_space<vmem>> -> memref<32768xf32, #tpu.memory_space<vmem>>
        %get3A_401 = arith.index_cast %add3A_399 : i32 to index
        %get3A_402 = tpu.vector_load %get3A_400[%get3A_401] {strides = array<i32>} : memref<32768xf32, #tpu.memory_space<vmem>>, vector<16xf32>,
        %add3A_403 = arith.constant 96 : i32
        %add3A_404 = arith.addi %mul3A_372, %add3A_403 : i32
        %get3A_405 = tpu.memref_slice %arg4[%mul3A_31] : memref<65536xf32, #tpu.memory_space<vmem>> -> memref<32768xf32, #tpu.memory_space<vmem>>
        %get3A_406 = arith.index_cast %add3A_404 : i32 to index
        %get3A_407 = tpu.vector_load %get3A_405[%get3A_406] {strides = array<i32>} : memref<32768xf32, #tpu.memory_space<vmem>>, vector<16xf32>,
        %add3A_408 = arith.constant 112 : i32
        %add3A_409 = arith.addi %mul3A_372, %add3A_408 : i32
        %get3A_410 = tpu.memref_slice %arg4[%mul3A_31] : memref<65536xf32, #tpu.memory_space<vmem>> -> memref<32768xf32, #tpu.memory_space<vmem>>
        %get3A_411 = arith.index_cast %add3A_409 : i32 to index
        %get3A_412 = tpu.vector_load %get3A_410[%get3A_411] {strides = array<i32>} : memref<32768xf32, #tpu.memory_space<vmem>>, vector<16xf32>,
        %max3A_413 = arith.maximumf %get3A_377, %get3A_382 : vector<16xf32>
        %max3A_414 = arith.maximumf %get3A_387, %get3A_392 : vector<16xf32>
        %max3A_415 = arith.maximumf %get3A_397, %get3A_402 : vector<16xf32>
        %max3A_416 = arith.maximumf %get3A_407, %get3A_412 : vector<16xf32>
        %max3A_417 = arith.maximumf %max3A_413, %max3A_414 : vector<16xf32>
        %max3A_418 = arith.maximumf %max3A_415, %max3A_416 : vector<16xf32>
        %max3A_419 = arith.maximumf %max3A_417, %max3A_418 : vector<16xf32>
        %mul3A_420 = arith.constant 16 : i32
        %mul3A_421 = arith.muli %scan3A_370, %mul3A_420 : i32
        %swap3A_422 = arith.index_cast %mul3A_421 : i32 to index
        %swap3A_423 = tpu.vector_load %arg5[%swap3A_422] {strides = array<i32>} : memref<4096xf32, #tpu.memory_space<vmem>>, vector<16xf32>,
        tpu.vector_store %arg5[%swap3A_422], %max3A_419 {strides = array<i32>} : memref<4096xf32, #tpu.memory_space<vmem>>, vector<16xf32>,
        %max3A_424 = arith.maximumf %max3A_368, %max3A_419 : vector<16xf32>
        scf.yield %max3A_424 : vector<16xf32>
      }
      %scan3A_50 = arith.constant 256 : i32
      %reduce_min3A = arith.constant true
      %reduce_min3A_51 = vector.broadcast %reduce_min3A : i1 to vector<16xi1>
      %reduce_min3A_52 = tpu.scan <min>, %scan3A_49 masked %reduce_min3A_51 : vector<16xf32>, vector<16xi1> -> vector<16xf32>
      %reduce_min3A_53 = vector.extract %reduce_min3A_52[15] : f32 from vector<16xf32>
      %scan3A_54 = arith.constant 0 : i32
      %scan3A_55 = arith.constant 0 : i32
      %scan3A_56 = arith.constant 256 : i32
      %scan3A_57 = arith.addi %scan3A_55, %scan3A_56 : i32
      %scan3A_58 = arith.constant 2 : i32
      %scan3A_59 = scf.for %scan3A_314 = %scan3A_55 to %scan3A_57 step %scan3A_58 iter_args(%scan3A_315 = %scan3A_54) -> (i32)  : i32 {
        %mul3A_316 = arith.constant 16 : i32
        %mul3A_317 = arith.muli %scan3A_314, %mul3A_316 : i32
        %get3A = arith.index_cast %mul3A_317 : i32 to index
        %get3A_318 = tpu.vector_load %arg5[%get3A] {strides = array<i32>} : memref<4096xf32, #tpu.memory_space<vmem>>, vector<16xf32>,
        %ge3A = vector.broadcast %reduce_min3A_53 : f32 to vector<16xf32>
        %ge3A_319 = arith.cmpf oge, %get3A_318, %ge3A : vector<16xf32>
        %swap3A_320 = arith.index_cast %scan3A_315 : i32 to index
        %swap3A_321 = tpu.vector_load %arg6[%swap3A_320] masked %ge3A_319 {strides = array<i32>} : memref<4112xf32, #tpu.memory_space<vmem>>, vector<16xf32>, vector<16xi1>
        tpu.vector_store %arg6[%swap3A_320], %get3A_318 masked %ge3A_319 {strides = array<i32>} : memref<4112xf32, #tpu.memory_space<vmem>>, vector<16xf32>, vector<16xi1>
        %mul3A_322 = arith.constant 16 : i32
        %mul3A_323 = arith.muli %scan3A_314, %mul3A_322 : i32
        %add3A_324 = vector.broadcast %mul3A_323 : i32 to vector<16xi32>
        %add3A_325 = arith.addi %iota3A, %add3A_324 : vector<16xi32>
        %swap3A_326 = arith.index_cast %scan3A_315 : i32 to index
        %swap3A_327 = tpu.vector_load %arg7[%swap3A_326] masked %ge3A_319 {strides = array<i32>} : memref<4112xi32, #tpu.memory_space<vmem>>, vector<16xi32>, vector<16xi1>
        tpu.vector_store %arg7[%swap3A_326], %add3A_325 masked %ge3A_319 {strides = array<i32>} : memref<4112xi32, #tpu.memory_space<vmem>>, vector<16xi32>, vector<16xi1>
        %all_reduce_population_count3A = tpu.all_reduce %ge3A_319 {dim = 0 : i64, kind = #tpu.reduction_kind<sum>} : vector<16xi1> -> vector<16xi32>
        %slice3A = vector.extract_strided_slice %all_reduce_population_count3A {offsets = [0], sizes = [1], strides = [1]} : vector<16xi32> to vector<1xi32>
        %squeeze3A = vector.extract %slice3A[0] : i32 from vector<1xi32>
        %add3A_328 = arith.addi %scan3A_315, %squeeze3A : i32
        %scan3A_329 = arith.constant 1 : i32
        %scan3A_330 = arith.addi %scan3A_314, %scan3A_329 : i32
        %mul3A_331 = arith.constant 16 : i32
        %mul3A_332 = arith.muli %scan3A_330, %mul3A_331 : i32
        %get3A_333 = arith.index_cast %mul3A_332 : i32 to index
        %get3A_334 = tpu.vector_load %arg5[%get3A_333] {strides = array<i32>} : memref<4096xf32, #tpu.memory_space<vmem>>, vector<16xf32>,
        %ge3A_335 = vector.broadcast %reduce_min3A_53 : f32 to vector<16xf32>
        %ge3A_336 = arith.cmpf oge, %get3A_334, %ge3A_335 : vector<16xf32>
        %swap3A_337 = arith.index_cast %add3A_328 : i32 to index
        %swap3A_338 = tpu.vector_load %arg6[%swap3A_337] masked %ge3A_336 {strides = array<i32>} : memref<4112xf32, #tpu.memory_space<vmem>>, vector<16xf32>, vector<16xi1>
        tpu.vector_store %arg6[%swap3A_337], %get3A_334 masked %ge3A_336 {strides = array<i32>} : memref<4112xf32, #tpu.memory_space<vmem>>, vector<16xf32>, vector<16xi1>
        %mul3A_339 = arith.constant 16 : i32
        %mul3A_340 = arith.muli %scan3A_330, %mul3A_339 : i32
        %add3A_341 = vector.broadcast %mul3A_340 : i32 to vector<16xi32>
        %add3A_342 = arith.addi %iota3A, %add3A_341 : vector<16xi32>
        %swap3A_343 = arith.index_cast %add3A_328 : i32 to index
        %swap3A_344 = tpu.vector_load %arg7[%swap3A_343] masked %ge3A_336 {strides = array<i32>} : memref<4112xi32, #tpu.memory_space<vmem>>, vector<16xi32>, vector<16xi1>
        tpu.vector_store %arg7[%swap3A_343], %add3A_342 masked %ge3A_336 {strides = array<i32>} : memref<4112xi32, #tpu.memory_space<vmem>>, vector<16xi32>, vector<16xi1>
        %all_reduce_population_count3A_345 = tpu.all_reduce %ge3A_336 {dim = 0 : i64, kind = #tpu.reduction_kind<sum>} : vector<16xi1> -> vector<16xi32>
        %slice3A_346 = vector.extract_strided_slice %all_reduce_population_count3A_345 {offsets = [0], sizes = [1], strides = [1]} : vector<16xi32> to vector<1xi32>
        %squeeze3A_347 = vector.extract %slice3A_346[0] : i32 from vector<1xi32>
        %add3A_348 = arith.addi %add3A_328, %squeeze3A_347 : i32
        scf.yield %add3A_348 : i32
      }
      %scan3A_60 = arith.constant 256 : i32
      %broadcast_in_dim3A_61 = arith.constant 0xFF800000 : f32
      %broadcast_in_dim3A_62 = vector.broadcast %broadcast_in_dim3A_61 : f32 to vector<16xf32>
      %swap3A = arith.index_cast %scan3A_59 : i32 to index
      %swap3A_63 = tpu.vector_load %arg6[%swap3A] {strides = array<i32>} : memref<4112xf32, #tpu.memory_space<vmem>>, vector<16xf32>,
      tpu.vector_store %arg6[%swap3A], %broadcast_in_dim3A_62 {strides = array<i32>} : memref<4112xf32, #tpu.memory_space<vmem>>, vector<16xf32>,
      %broadcast_in_dim3A_64 = arith.constant 0 : i32
      %broadcast_in_dim3A_65 = vector.broadcast %broadcast_in_dim3A_64 : i32 to vector<16xi32>
      %swap3A_66 = arith.index_cast %scan3A_59 : i32 to index
      %swap3A_67 = tpu.vector_load %arg7[%swap3A_66] {strides = array<i32>} : memref<4112xi32, #tpu.memory_space<vmem>>, vector<16xi32>,
      tpu.vector_store %arg7[%swap3A_66], %broadcast_in_dim3A_65 {strides = array<i32>} : memref<4112xi32, #tpu.memory_space<vmem>>, vector<16xi32>,
      %add3A_68 = arith.constant 15 : i32
      %add3A_69 = arith.addi %scan3A_59, %add3A_68 : i32
      %jit3A_70 = arith.constant 16 : i32
      %div3A = arith.divsi %add3A_69, %jit3A_70 : i32
      %sign3A = arith.constant 0 : i32
      %sign3A_71 = arith.cmpi sgt, %add3A_69, %sign3A : i32
      %sign3A_72 = arith.extui %sign3A_71 : i1 to i32
      %sign3A_73 = arith.constant 0 : i32
      %sign3A_74 = arith.cmpi slt, %add3A_69, %sign3A_73 : i32
      %sign3A_75 = arith.extui %sign3A_74 : i1 to i32
      %sign3A_76 = arith.subi %sign3A_72, %sign3A_75 : i32
      %sign3A_77 = arith.constant 0 : i32
      %sign3A_78 = arith.cmpi sgt, %jit3A_70, %sign3A_77 : i32
      %sign3A_79 = arith.extui %sign3A_78 : i1 to i32
      %sign3A_80 = arith.constant 0 : i32
      %sign3A_81 = arith.cmpi slt, %jit3A_70, %sign3A_80 : i32
      %sign3A_82 = arith.extui %sign3A_81 : i1 to i32
      %sign3A_83 = arith.subi %sign3A_79, %sign3A_82 : i32
      %ne3A_84 = arith.cmpi ne, %sign3A_76, %sign3A_83 : i32
      %rem3A_85 = arith.remsi %add3A_69, %jit3A_70 : i32
      %ne3A_86 = arith.constant 0 : i32
      %ne3A_87 = arith.cmpi ne, %rem3A_85, %ne3A_86 : i32
      %and3A_88 = arith.andi %ne3A_84, %ne3A_87 : i1
      %sub3A = arith.constant 1 : i32
      %sub3A_89 = arith.subi %div3A, %sub3A : i32
      %select_n3A_90 = arith.select %and3A_88, %sub3A_89, %div3A : i32
      %broadcast_in_dim3A_91 = arith.constant 0xFF800000 : f32
      %broadcast_in_dim3A_92 = vector.broadcast %broadcast_in_dim3A_91 : f32 to vector<16xf32>
      %broadcast_in_dim3A_93 = arith.constant 0 : i32
      %broadcast_in_dim3A_94 = vector.broadcast %broadcast_in_dim3A_93 : i32 to vector<16xi32>
      %while3A = arith.constant 0 : i32
      %while3A_95 = arith.subi %select_n3A_90, %while3A : i32
      %while3A_96 = arith.addi %while3A, %while3A_95 : i32
      %while3A_97 = arith.constant 1 : i32
      %while3A_98 = arith.divsi %while3A_95, %while3A_97 : i32
      %while3A_99 = arith.muli %while3A_98, %while3A_97 : i32
      %while3A_100 = arith.addi %while3A, %while3A_99 : i32
      %while3A_101 = arith.constant 1 : i32
      %while3A_102:2 = scf.for %while3A_314 = %while3A to %while3A_100 step %while3A_101 iter_args(%while3A_315 = %broadcast_in_dim3A_92, %while3A_316 = %broadcast_in_dim3A_94) -> (vector<16xf32>, vector<16xi32>)  : i32 {
        %mul3A_317 = arith.constant 16 : i32
        %mul3A_318 = arith.muli %while3A_314, %mul3A_317 : i32
        %get3A = arith.index_cast %mul3A_318 : i32 to index
        %get3A_319 = tpu.vector_load %arg6[%get3A] {strides = array<i32>} : memref<4112xf32, #tpu.memory_space<vmem>>, vector<16xf32>,
        %mul3A_320 = arith.constant 16 : i32
        %mul3A_321 = arith.muli %while3A_314, %mul3A_320 : i32
        %get3A_322 = arith.index_cast %mul3A_321 : i32 to index
        %get3A_323 = tpu.vector_load %arg7[%get3A_322] {strides = array<i32>} : memref<4112xi32, #tpu.memory_space<vmem>>, vector<16xi32>,
        %masked_sort3A = arith.constant dense<true> : vector<16xi1>
        %masked_sort3A_324, %masked_sort3A_325, %masked_sort3A_326 = tpu.sort %get3A_319, %get3A_323 masked %masked_sort3A {descending = true} : (vector<16xf32>, vector<16xi32>, vector<16xi1>) -> (vector<16xi1>, vector<16xf32>, vector<16xi32>)
        %ge3A = arith.cmpf oge, %while3A_315, %masked_sort3A_325 : vector<16xf32>
        %select_n3A_327 = arith.select %ge3A, %while3A_315, %masked_sort3A_325 : vector<16xi1>, vector<16xf32>
        %select_n3A_328 = arith.select %ge3A, %while3A_316, %masked_sort3A_326 : vector<16xi1>, vector<16xi32>
        %masked_sort3A_329 = arith.constant dense<true> : vector<16xi1>
        %masked_sort3A_330, %masked_sort3A_331, %masked_sort3A_332 = tpu.sort %select_n3A_327, %select_n3A_328 masked %masked_sort3A_329 : (vector<16xf32>, vector<16xi32>, vector<16xi1>) -> (vector<16xi1>, vector<16xf32>, vector<16xi32>)
        scf.yield %masked_sort3A_331, %masked_sort3A_332 : vector<16xf32>, vector<16xi32>
      }
      %while3A_103 = arith.constant 1 : i32
      %while3A_104:2 = scf.for %while3A_314 = %while3A_100 to %while3A_96 step %while3A_103 iter_args(%while3A_315 = %while3A_102#0, %while3A_316 = %while3A_102#1) -> (vector<16xf32>, vector<16xi32>)  : i32 {
        %mul3A_317 = arith.constant 16 : i32
        %mul3A_318 = arith.muli %while3A_314, %mul3A_317 : i32
        %get3A = arith.index_cast %mul3A_318 : i32 to index
        %get3A_319 = tpu.vector_load %arg6[%get3A] {strides = array<i32>} : memref<4112xf32, #tpu.memory_space<vmem>>, vector<16xf32>,
        %mul3A_320 = arith.constant 16 : i32
        %mul3A_321 = arith.muli %while3A_314, %mul3A_320 : i32
        %get3A_322 = arith.index_cast %mul3A_321 : i32 to index
        %get3A_323 = tpu.vector_load %arg7[%get3A_322] {strides = array<i32>} : memref<4112xi32, #tpu.memory_space<vmem>>, vector<16xi32>,
        %masked_sort3A = arith.constant dense<true> : vector<16xi1>
        %masked_sort3A_324, %masked_sort3A_325, %masked_sort3A_326 = tpu.sort %get3A_319, %get3A_323 masked %masked_sort3A {descending = true} : (vector<16xf32>, vector<16xi32>, vector<16xi1>) -> (vector<16xi1>, vector<16xf32>, vector<16xi32>)
        %ge3A = arith.cmpf oge, %while3A_315, %masked_sort3A_325 : vector<16xf32>
        %select_n3A_327 = arith.select %ge3A, %while3A_315, %masked_sort3A_325 : vector<16xi1>, vector<16xf32>
        %select_n3A_328 = arith.select %ge3A, %while3A_316, %masked_sort3A_326 : vector<16xi1>, vector<16xi32>
        %masked_sort3A_329 = arith.constant dense<true> : vector<16xi1>
        %masked_sort3A_330, %masked_sort3A_331, %masked_sort3A_332 = tpu.sort %select_n3A_327, %select_n3A_328 masked %masked_sort3A_329 : (vector<16xf32>, vector<16xi32>, vector<16xi1>) -> (vector<16xi1>, vector<16xf32>, vector<16xi32>)
        scf.yield %masked_sort3A_331, %masked_sort3A_332 : vector<16xf32>, vector<16xi32>
      }
      %jit3A_105 = arith.constant 16 : i32
      %div3A_106 = vector.broadcast %jit3A_105 : i32 to vector<16xi32>
      %div3A_107 = arith.divsi %while3A_104#1, %div3A_106 : vector<16xi32>
      %sign3A_108 = arith.constant 0 : i32
      %sign3A_109 = vector.broadcast %sign3A_108 : i32 to vector<16xi32>
      %sign3A_110 = arith.cmpi sgt, %while3A_104#1, %sign3A_109 : vector<16xi32>
      %sign3A_111 = arith.extui %sign3A_110 : vector<16xi1> to vector<16xi32>
      %sign3A_112 = arith.constant 0 : i32
      %sign3A_113 = vector.broadcast %sign3A_112 : i32 to vector<16xi32>
      %sign3A_114 = arith.cmpi slt, %while3A_104#1, %sign3A_113 : vector<16xi32>
      %sign3A_115 = arith.extui %sign3A_114 : vector<16xi1> to vector<16xi32>
      %sign3A_116 = arith.subi %sign3A_111, %sign3A_115 : vector<16xi32>
      %sign3A_117 = arith.constant 0 : i32
      %sign3A_118 = arith.cmpi sgt, %jit3A_105, %sign3A_117 : i32
      %sign3A_119 = arith.extui %sign3A_118 : i1 to i32
      %sign3A_120 = arith.constant 0 : i32
      %sign3A_121 = arith.cmpi slt, %jit3A_105, %sign3A_120 : i32
      %sign3A_122 = arith.extui %sign3A_121 : i1 to i32
      %sign3A_123 = arith.subi %sign3A_119, %sign3A_122 : i32
      %ne3A_124 = vector.broadcast %sign3A_123 : i32 to vector<16xi32>
      %ne3A_125 = arith.cmpi ne, %sign3A_116, %ne3A_124 : vector<16xi32>
      %rem3A_126 = vector.broadcast %jit3A_105 : i32 to vector<16xi32>
      %rem3A_127 = arith.remsi %while3A_104#1, %rem3A_126 : vector<16xi32>
      %ne3A_128 = arith.constant 0 : i32
      %ne3A_129 = vector.broadcast %ne3A_128 : i32 to vector<16xi32>
      %ne3A_130 = arith.cmpi ne, %rem3A_127, %ne3A_129 : vector<16xi32>
      %and3A_131 = arith.andi %ne3A_125, %ne3A_130 : vector<16xi1>
      %sub3A_132 = arith.constant 1 : i32
      %sub3A_133 = vector.broadcast %sub3A_132 : i32 to vector<16xi32>
      %sub3A_134 = arith.subi %div3A_107, %sub3A_133 : vector<16xi32>
      %select_n3A_135 = arith.select %and3A_131, %sub3A_134, %div3A_107 : vector<16xi1>, vector<16xi32>
      %mul3A_136 = arith.constant 128 : i32
      %mul3A_137 = vector.broadcast %mul3A_136 : i32 to vector<16xi32>
      %mul3A_138 = arith.muli %select_n3A_135, %mul3A_137 : vector<16xi32>
      %add3A_139 = vector.broadcast %mul3A_31 : i32 to vector<16xi32>
      %add3A_140 = arith.addi %add3A_139, %mul3A_138 : vector<16xi32>
      %jit3A_141 = arith.constant 16 : i32
      %eq3A_142 = arith.constant 0 : i32
      %eq3A_143 = arith.cmpi eq, %jit3A_141, %eq3A_142 : i32
      %jit3A_144 = arith.constant 1 : i32
      %select_n3A_145 = arith.select %eq3A_143, %jit3A_144, %jit3A_141 : i32
      %rem3A_146 = vector.broadcast %select_n3A_145 : i32 to vector<16xi32>
      %rem3A_147 = arith.remsi %while3A_104#1, %rem3A_146 : vector<16xi32>
      %ne3A_148 = arith.constant 0 : i32
      %ne3A_149 = vector.broadcast %ne3A_148 : i32 to vector<16xi32>
      %ne3A_150 = arith.cmpi ne, %rem3A_147, %ne3A_149 : vector<16xi32>
      %lt3A_151 = arith.constant 0 : i32
      %lt3A_152 = vector.broadcast %lt3A_151 : i32 to vector<16xi32>
      %lt3A_153 = arith.cmpi slt, %rem3A_147, %lt3A_152 : vector<16xi32>
      %lt3A_154 = arith.constant 0 : i32
      %lt3A_155 = arith.cmpi slt, %select_n3A_145, %lt3A_154 : i32
      %ne3A_156 = vector.broadcast %lt3A_155 : i1 to vector<16xi1>
      %ne3A_157 = vector.broadcast %ne3A_156 : vector<16xi1> to vector<16xi1>
      %ne3A_158 = arith.xori %lt3A_153, %ne3A_157 : vector<16xi1>
      %and3A_159 = arith.andi %ne3A_158, %ne3A_150 : vector<16xi1>
      %add3A_160 = vector.broadcast %select_n3A_145 : i32 to vector<16xi32>
      %add3A_161 = arith.addi %rem3A_147, %add3A_160 : vector<16xi32>
      %select_n3A_162 = arith.select %and3A_159, %add3A_161, %rem3A_147 : vector<16xi1>, vector<16xi32>
      %add3A_163 = arith.addi %add3A_140, %select_n3A_162 : vector<16xi32>
      %broadcast_in_dim3A_164 = arith.constant 0xFF800000 : f32
      %broadcast_in_dim3A_165 = vector.broadcast %broadcast_in_dim3A_164 : f32 to vector<16xf32>
      %add3A_166 = arith.constant 0 : i32
      %add3A_167 = vector.broadcast %add3A_166 : i32 to vector<16xi32>
      %add3A_168 = arith.addi %add3A_163, %add3A_167 : vector<16xi32>
      %gather3A = tpu.vector_load_idx %arg4[%add3A_168] : memref<65536xf32, #tpu.memory_space<vmem>>[vector<16xi32>], vector<16xf32>,
      %sort3A = arith.constant dense<true> : vector<16xi1>
      %sort3A_169, %sort3A_170, %sort3A_171 = tpu.sort %gather3A, %gather3A masked %sort3A : (vector<16xf32>, vector<16xf32>, vector<16xi1>) -> (vector<16xi1>, vector<16xf32>, vector<16xf32>)
      %rev3A = arith.constant 15 : i32
      %rev3A_172 = vector.broadcast %rev3A : i32 to vector<16xi32>
      %rev3A_173 = tpu.iota {dimensions = array<i32: 0>} : vector<16xi32>
      %rev3A_174 = arith.subi %rev3A_172, %rev3A_173 : vector<16xi32>
      %rev3A_175 = tpu.dynamic_gather %sort3A_170[%rev3A_174] in [0] : vector<16xf32>, vector<16xi32> -> vector<16xf32>
      %max3A = arith.maximumf %broadcast_in_dim3A_165, %rev3A_175 : vector<16xf32>
      %sort3A_176 = arith.constant dense<true> : vector<16xi1>
      %sort3A_177, %sort3A_178, %sort3A_179 = tpu.sort %max3A, %max3A masked %sort3A_176 : (vector<16xf32>, vector<16xf32>, vector<16xi1>) -> (vector<16xi1>, vector<16xf32>, vector<16xf32>)
      %add3A_180 = arith.constant 16 : i32
      %add3A_181 = vector.broadcast %add3A_180 : i32 to vector<16xi32>
      %add3A_182 = arith.addi %add3A_163, %add3A_181 : vector<16xi32>
      %gather3A_183 = tpu.vector_load_idx %arg4[%add3A_182] : memref<65536xf32, #tpu.memory_space<vmem>>[vector<16xi32>], vector<16xf32>,
      %sort3A_184 = arith.constant dense<true> : vector<16xi1>
      %sort3A_185, %sort3A_186, %sort3A_187 = tpu.sort %gather3A_183, %gather3A_183 masked %sort3A_184 : (vector<16xf32>, vector<16xf32>, vector<16xi1>) -> (vector<16xi1>, vector<16xf32>, vector<16xf32>)
      %rev3A_188 = arith.constant 15 : i32
      %rev3A_189 = vector.broadcast %rev3A_188 : i32 to vector<16xi32>
      %rev3A_190 = tpu.iota {dimensions = array<i32: 0>} : vector<16xi32>
      %rev3A_191 = arith.subi %rev3A_189, %rev3A_190 : vector<16xi32>
      %rev3A_192 = tpu.dynamic_gather %sort3A_186[%rev3A_191] in [0] : vector<16xf32>, vector<16xi32> -> vector<16xf32>
      %max3A_193 = arith.maximumf %sort3A_178, %rev3A_192 : vector<16xf32>
      %sort3A_194 = arith.constant dense<true> : vector<16xi1>
      %sort3A_195, %sort3A_196, %sort3A_197 = tpu.sort %max3A_193, %max3A_193 masked %sort3A_194 : (vector<16xf32>, vector<16xf32>, vector<16xi1>) -> (vector<16xi1>, vector<16xf32>, vector<16xf32>)
      %add3A_198 = arith.constant 32 : i32
      %add3A_199 = vector.broadcast %add3A_198 : i32 to vector<16xi32>
      %add3A_200 = arith.addi %add3A_163, %add3A_199 : vector<16xi32>
      %gather3A_201 = tpu.vector_load_idx %arg4[%add3A_200] : memref<65536xf32, #tpu.memory_space<vmem>>[vector<16xi32>], vector<16xf32>,
      %sort3A_202 = arith.constant dense<true> : vector<16xi1>
      %sort3A_203, %sort3A_204, %sort3A_205 = tpu.sort %gather3A_201, %gather3A_201 masked %sort3A_202 : (vector<16xf32>, vector<16xf32>, vector<16xi1>) -> (vector<16xi1>, vector<16xf32>, vector<16xf32>)
      %rev3A_206 = arith.constant 15 : i32
      %rev3A_207 = vector.broadcast %rev3A_206 : i32 to vector<16xi32>
      %rev3A_208 = tpu.iota {dimensions = array<i32: 0>} : vector<16xi32>
      %rev3A_209 = arith.subi %rev3A_207, %rev3A_208 : vector<16xi32>
      %rev3A_210 = tpu.dynamic_gather %sort3A_204[%rev3A_209] in [0] : vector<16xf32>, vector<16xi32> -> vector<16xf32>
      %max3A_211 = arith.maximumf %sort3A_196, %rev3A_210 : vector<16xf32>
      %sort3A_212 = arith.constant dense<true> : vector<16xi1>
      %sort3A_213, %sort3A_214, %sort3A_215 = tpu.sort %max3A_211, %max3A_211 masked %sort3A_212 : (vector<16xf32>, vector<16xf32>, vector<16xi1>) -> (vector<16xi1>, vector<16xf32>, vector<16xf32>)
      %add3A_216 = arith.constant 48 : i32
      %add3A_217 = vector.broadcast %add3A_216 : i32 to vector<16xi32>
      %add3A_218 = arith.addi %add3A_163, %add3A_217 : vector<16xi32>
      %gather3A_219 = tpu.vector_load_idx %arg4[%add3A_218] : memref<65536xf32, #tpu.memory_space<vmem>>[vector<16xi32>], vector<16xf32>,
      %sort3A_220 = arith.constant dense<true> : vector<16xi1>
      %sort3A_221, %sort3A_222, %sort3A_223 = tpu.sort %gather3A_219, %gather3A_219 masked %sort3A_220 : (vector<16xf32>, vector<16xf32>, vector<16xi1>) -> (vector<16xi1>, vector<16xf32>, vector<16xf32>)
      %rev3A_224 = arith.constant 15 : i32
      %rev3A_225 = vector.broadcast %rev3A_224 : i32 to vector<16xi32>
      %rev3A_226 = tpu.iota {dimensions = array<i32: 0>} : vector<16xi32>
      %rev3A_227 = arith.subi %rev3A_225, %rev3A_226 : vector<16xi32>
      %rev3A_228 = tpu.dynamic_gather %sort3A_222[%rev3A_227] in [0] : vector<16xf32>, vector<16xi32> -> vector<16xf32>
      %max3A_229 = arith.maximumf %sort3A_214, %rev3A_228 : vector<16xf32>
      %sort3A_230 = arith.constant dense<true> : vector<16xi1>
      %sort3A_231, %sort3A_232, %sort3A_233 = tpu.sort %max3A_229, %max3A_229 masked %sort3A_230 : (vector<16xf32>, vector<16xf32>, vector<16xi1>) -> (vector<16xi1>, vector<16xf32>, vector<16xf32>)
      %add3A_234 = arith.constant 64 : i32
      %add3A_235 = vector.broadcast %add3A_234 : i32 to vector<16xi32>
      %add3A_236 = arith.addi %add3A_163, %add3A_235 : vector<16xi32>
      %gather3A_237 = tpu.vector_load_idx %arg4[%add3A_236] : memref<65536xf32, #tpu.memory_space<vmem>>[vector<16xi32>], vector<16xf32>,
      %sort3A_238 = arith.constant dense<true> : vector<16xi1>
      %sort3A_239, %sort3A_240, %sort3A_241 = tpu.sort %gather3A_237, %gather3A_237 masked %sort3A_238 : (vector<16xf32>, vector<16xf32>, vector<16xi1>) -> (vector<16xi1>, vector<16xf32>, vector<16xf32>)
      %rev3A_242 = arith.constant 15 : i32
      %rev3A_243 = vector.broadcast %rev3A_242 : i32 to vector<16xi32>
      %rev3A_244 = tpu.iota {dimensions = array<i32: 0>} : vector<16xi32>
      %rev3A_245 = arith.subi %rev3A_243, %rev3A_244 : vector<16xi32>
      %rev3A_246 = tpu.dynamic_gather %sort3A_240[%rev3A_245] in [0] : vector<16xf32>, vector<16xi32> -> vector<16xf32>
      %max3A_247 = arith.maximumf %sort3A_232, %rev3A_246 : vector<16xf32>
      %sort3A_248 = arith.constant dense<true> : vector<16xi1>
      %sort3A_249, %sort3A_250, %sort3A_251 = tpu.sort %max3A_247, %max3A_247 masked %sort3A_248 : (vector<16xf32>, vector<16xf32>, vector<16xi1>) -> (vector<16xi1>, vector<16xf32>, vector<16xf32>)
      %add3A_252 = arith.constant 80 : i32
      %add3A_253 = vector.broadcast %add3A_252 : i32 to vector<16xi32>
      %add3A_254 = arith.addi %add3A_163, %add3A_253 : vector<16xi32>
      %gather3A_255 = tpu.vector_load_idx %arg4[%add3A_254] : memref<65536xf32, #tpu.memory_space<vmem>>[vector<16xi32>], vector<16xf32>,
      %sort3A_256 = arith.constant dense<true> : vector<16xi1>
      %sort3A_257, %sort3A_258, %sort3A_259 = tpu.sort %gather3A_255, %gather3A_255 masked %sort3A_256 : (vector<16xf32>, vector<16xf32>, vector<16xi1>) -> (vector<16xi1>, vector<16xf32>, vector<16xf32>)
      %rev3A_260 = arith.constant 15 : i32
      %rev3A_261 = vector.broadcast %rev3A_260 : i32 to vector<16xi32>
      %rev3A_262 = tpu.iota {dimensions = array<i32: 0>} : vector<16xi32>
      %rev3A_263 = arith.subi %rev3A_261, %rev3A_262 : vector<16xi32>
      %rev3A_264 = tpu.dynamic_gather %sort3A_258[%rev3A_263] in [0] : vector<16xf32>, vector<16xi32> -> vector<16xf32>
      %max3A_265 = arith.maximumf %sort3A_250, %rev3A_264 : vector<16xf32>
      %sort3A_266 = arith.constant dense<true> : vector<16xi1>
      %sort3A_267, %sort3A_268, %sort3A_269 = tpu.sort %max3A_265, %max3A_265 masked %sort3A_266 : (vector<16xf32>, vector<16xf32>, vector<16xi1>) -> (vector<16xi1>, vector<16xf32>, vector<16xf32>)
      %add3A_270 = arith.constant 96 : i32
      %add3A_271 = vector.broadcast %add3A_270 : i32 to vector<16xi32>
      %add3A_272 = arith.addi %add3A_163, %add3A_271 : vector<16xi32>
      %gather3A_273 = tpu.vector_load_idx %arg4[%add3A_272] : memref<65536xf32, #tpu.memory_space<vmem>>[vector<16xi32>], vector<16xf32>,
      %sort3A_274 = arith.constant dense<true> : vector<16xi1>
      %sort3A_275, %sort3A_276, %sort3A_277 = tpu.sort %gather3A_273, %gather3A_273 masked %sort3A_274 : (vector<16xf32>, vector<16xf32>, vector<16xi1>) -> (vector<16xi1>, vector<16xf32>, vector<16xf32>)
      %rev3A_278 = arith.constant 15 : i32
      %rev3A_279 = vector.broadcast %rev3A_278 : i32 to vector<16xi32>
      %rev3A_280 = tpu.iota {dimensions = array<i32: 0>} : vector<16xi32>
      %rev3A_281 = arith.subi %rev3A_279, %rev3A_280 : vector<16xi32>
      %rev3A_282 = tpu.dynamic_gather %sort3A_276[%rev3A_281] in [0] : vector<16xf32>, vector<16xi32> -> vector<16xf32>
      %max3A_283 = arith.maximumf %sort3A_268, %rev3A_282 : vector<16xf32>
      %sort3A_284 = arith.constant dense<true> : vector<16xi1>
      %sort3A_285, %sort3A_286, %sort3A_287 = tpu.sort %max3A_283, %max3A_283 masked %sort3A_284 : (vector<16xf32>, vector<16xf32>, vector<16xi1>) -> (vector<16xi1>, vector<16xf32>, vector<16xf32>)
      %add3A_288 = arith.constant 112 : i32
      %add3A_289 = vector.broadcast %add3A_288 : i32 to vector<16xi32>
      %add3A_290 = arith.addi %add3A_163, %add3A_289 : vector<16xi32>
      %gather3A_291 = tpu.vector_load_idx %arg4[%add3A_290] : memref<65536xf32, #tpu.memory_space<vmem>>[vector<16xi32>], vector<16xf32>,
      %sort3A_292 = arith.constant dense<true> : vector<16xi1>
      %sort3A_293, %sort3A_294, %sort3A_295 = tpu.sort %gather3A_291, %gather3A_291 masked %sort3A_292 : (vector<16xf32>, vector<16xf32>, vector<16xi1>) -> (vector<16xi1>, vector<16xf32>, vector<16xf32>)
      %rev3A_296 = arith.constant 15 : i32
      %rev3A_297 = vector.broadcast %rev3A_296 : i32 to vector<16xi32>
      %rev3A_298 = tpu.iota {dimensions = array<i32: 0>} : vector<16xi32>
      %rev3A_299 = arith.subi %rev3A_297, %rev3A_298 : vector<16xi32>
      %rev3A_300 = tpu.dynamic_gather %sort3A_294[%rev3A_299] in [0] : vector<16xf32>, vector<16xi32> -> vector<16xf32>
      %max3A_301 = arith.maximumf %sort3A_286, %rev3A_300 : vector<16xf32>
      %sort3A_302 = arith.constant dense<true> : vector<16xi1>
      %sort3A_303, %sort3A_304, %sort3A_305 = tpu.sort %max3A_301, %max3A_301 masked %sort3A_302 : (vector<16xf32>, vector<16xf32>, vector<16xi1>) -> (vector<16xi1>, vector<16xf32>, vector<16xf32>)
      %rev3A_306 = arith.constant 15 : i32
      %rev3A_307 = vector.broadcast %rev3A_306 : i32 to vector<16xi32>
      %rev3A_308 = tpu.iota {dimensions = array<i32: 0>} : vector<16xi32>
      %rev3A_309 = arith.subi %rev3A_307, %rev3A_308 : vector<16xi32>
      %rev3A_310 = tpu.dynamic_gather %sort3A_304[%rev3A_309] in [0] : vector<16xf32>, vector<16xi32> -> vector<16xf32>
      %swap3A_311 = arith.constant 0 : index
      %swap3A_312 = tpu.vector_load %arg8[%swap3A_311] {strides = array<i32>} : memref<16xf32, #tpu.memory_space<vmem>>, vector<16xf32>,
      tpu.vector_store %arg8[%swap3A_311], %rev3A_310 {strides = array<i32>} : memref<16xf32, #tpu.memory_space<vmem>>, vector<16xf32>,
      "tpu.region"() ({
        %run_scoped3A = tpu.sem_alloc : memref<!tpu.dma_semaphore, #tpu.memory_space<semaphore_mem>>
        %dma_start3A_314 = arith.constant 0 : i32
        %dma_start3A_315 = tpu.memref_slice %arg3[%add3A_20, %dma_start3A_314] : memref<128x16xf32, #tpu.memory_space<hbm>> -> memref<1x16xf32, #tpu.memory_space<hbm>>
        %dma_start3A_316 = tpu.memref_squeeze %dma_start3A_315 : memref<1x16xf32, #tpu.memory_space<hbm>> -> memref<16xf32, #tpu.memory_space<hbm>>
        %dma_start3A_317 = arith.constant 0 : i32
        %dma_start3A_318 = tpu.memref_slice %arg3[%add3A_20, %dma_start3A_317] : memref<128x16xf32, #tpu.memory_space<hbm>> -> memref<1x16xf32, #tpu.memory_space<hbm>>
        %dma_start3A_319 = tpu.memref_squeeze %dma_start3A_318 : memref<1x16xf32, #tpu.memory_space<hbm>> -> memref<16xf32, #tpu.memory_space<hbm>>
        tpu.enqueue_dma source(%arg8 : memref<16xf32, #tpu.memory_space<vmem>>) target(%dma_start3A_319 : memref<16xf32, #tpu.memory_space<hbm>>) target_semaphore(%run_scoped3A : memref<!tpu.dma_semaphore, #tpu.memory_space<semaphore_mem>>)
        %dma_wait3A_320 = arith.constant 0 : i32
        %dma_wait3A_321 = tpu.memref_slice %arg3[%add3A_20, %dma_wait3A_320] : memref<128x16xf32, #tpu.memory_space<hbm>> -> memref<1x16xf32, #tpu.memory_space<hbm>>
        %dma_wait3A_322 = tpu.memref_squeeze %dma_wait3A_321 : memref<1x16xf32, #tpu.memory_space<hbm>> -> memref<16xf32, #tpu.memory_space<hbm>>
        %dma_wait3A_323 = arith.constant 0 : i32
        %dma_wait3A_324 = tpu.memref_slice %arg3[%add3A_20, %dma_wait3A_323] : memref<128x16xf32, #tpu.memory_space<hbm>> -> memref<1x16xf32, #tpu.memory_space<hbm>>
        %dma_wait3A_325 = tpu.memref_squeeze %dma_wait3A_324 : memref<1x16xf32, #tpu.memory_space<hbm>> -> memref<16xf32, #tpu.memory_space<hbm>>
        tpu.wait_dma2 semaphore(%run_scoped3A : memref<!tpu.dma_semaphore, #tpu.memory_space<semaphore_mem>>) src(%arg8 : memref<16xf32, #tpu.memory_space<vmem>>) dst(%dma_wait3A_325 : memref<16xf32, #tpu.memory_space<hbm>>)
        tpu.yield
      }) : () -> ()
      %scan3A_313 = arith.constant 0 : i32
      scf.yield %scan3A_313 : i32
    }
    %scan3A_17 = arith.constant 4 : i32
    return
  }
}

</mosaic_0001>

<sc_bundles>
// kernel: kernel.3.cloned.1.call-start
scs
__scs_entry_jumppad:
0x0: {  	(pc) =	sbr.rel $0x88, $3  }
0x1: {  	(tag) =	ssettag $0x0;
	lr =	simm.s32 $0x1  }
0x2: {  	[smem:$0x3FA0] =	sst lr;
	_ =	strace $0xD0000000  }
0x3: {  	_ = 	snop  }
0x4: {  	_ = 	snop  }
0x5: {  	_ = 	snop  }
0x6: {  	_ = 	snop  }
0x7: {  	_ = 	snop  }
__scs_overlays_trampoline_lowered:
0x8: {  	[smem:$0x3FAF] =	sst s0  }
0x9: {  	[smem:$0x3FB0] =	sst s1  }
0xa: {  	[smem:$0x3FB1] =	sst s2  }
0xb: {  	[smem:$0x3FB2] =	sst s3  }
0xc: {  	[smem:$0x3FB3] =	sst s4  }
0xd: {  	[smem:$0x3FB4] =	sst s5  }
0xe: {  	[smem:$0x3FB5] =	sst s6  }
0xf: {  	[smem:$0x3FB6] =	sst s7  }
0x10: {  	[smem:$0x3FB7] =	sst s8  }
0x11: {  	[smem:$0x3FB8] =	sst s9;
	s0 =	simm.s32 @!p0 $0x0  }
0x12: {  	s1 =	sld [smem:$0x3F9E];
	s0 =	simm.s32 @p0 $0x1  }
0x13: {  	[smem:$0x3FB9] =	sst s0;
	s0 =	simm.s32 @!p1 $0x0  }
0x14: {  	s2 =	sld [smem:$0x3F9D];
	s0 =	simm.s32 @p1 $0x1  }
0x15: {  	[smem:$0x3FBA] =	sst s0;
	s0 =	simm.s32 @!p2 $0x0  }
0x16: {  	s3 =	sld [smem:$0x3FDB];
	s0 =	simm.s32 @p2 $0x1  }
0x17: {  	s4 =	simm.s32 $0x1BF5;
	[smem:$0x3FBC] =	sst s0  }
0x18: {  	s0 =	sld [smem:$0x3F9F];
	_ =	swait.ge [sflag:s4], $0x0  }
0x19: {  	s7 =	sld [smem:$0x3FA0]  }
0x1a: {  	s8 =	sadd.s32 $0xFFFFE003, lr  }
0x1b: {  	s9 =	sadd.s32 $0xFFFFFEF7, lr;
	s5 =	simm.s32 $0xFFFFFFFF;
	p2 =	slt.u32 s8, $0xFFFFF086  }
0x1c: {  	p1 =	slt.u32 s9, $0xF7A;
	s5 =	simm.s32 @!p2 $0x0  }
0x1d: {  	s5 =	simm.s32 @p1 $0x1;
	p0 =	seq.s32 s7, s2  }
0x1e: {  	s7 =	smul.u32 @!p0 $0xF7A, s2;
	p2 =	seq.s32 @!p0 s5, $0x0  }
0x1f: {  	s9 =	smul.u32 $0xF7A, s1;
	s8 =	simm.s32 @!p0 $0x1BF5;
	p2 =	por !p2, p0  }
0x20: {  	[sflag:s8] =	ssyncset.s32 @!p0 $0xFFFFF086;
	s6 =	sadd.s32 @!p0 s3, s7;
	s7 =	simm.s32 @!p0 $0x108  }
0x21: {  	s3 =	sadd.s32 s3, s9;
	s6 =	sadd.s32 @!p0 $0x88, s6;
	s7 =	simm.s32 @p2 $0x1082  }
0x22: {  	[simem:s7], [sflag:s8] =	dma.local @!p0 [hbm:s6], $0xF7A  }
0x23: {  	s9 =	sor.u32 $0xD0000000, s2;
	s6 =	simm.s32 $0x108;
	_ =	swait.ge @!p0 [sflag:s8], $0x0  }
0x24: {  	s3 =	sadd.s32 $0x88, s3;
	s6 =	simm.s32 @!p1 $0x1082;
	[sflag:s4] =	ssyncset.s32 $0xFFFFF086  }
0x25: {  	[simem:s6], [sflag:s4] =	dma.local [hbm:s3], $0xF7A  }
0x26: {  	[smem:$0x3FA0] =	sst s1;
	(tag) =	ssettag s2;
	_ =	strace s9  }
0x27: {  	s1 =	sld [smem:$0x3FB0]  }
0x28: {  	s2 =	sld [smem:$0x3FB1]  }
0x29: {  	s4 =	sld [smem:$0x3FB3]  }
0x2a: {  	p0 =	seq.s32 s5, $0x0;
	s5 =	sld [smem:$0x3FB4]  }
0x2b: {  	s6 =	sld [smem:$0x3FB5]  }
0x2c: {  	s7 =	sld [smem:$0x3FB6]  }
0x2d: {  	s3 =	simm.s32 $0x108;
	s8 =	sld [smem:$0x3FB7]  }
0x2e: {  	s3 =	simm.s32 @!p0 $0x1082;
	s9 =	sld [smem:$0x3FB8]  }
0x2f: {  	lr =	sadd.s32 s0, s3;
	s0 =	sld [smem:$0x3FAF]  }
0x30: {  	s3 =	sld [smem:$0x3FB2]  }
0x31: {  	[smem:$0x3FBB] =	sst s10  }
0x32: {  	s10 =	sld [smem:$0x3FB9];
	_ =	sdelay $0x3  }
0x33: {  	p0 =	seq.s32 s10, $0x1;
	s10 =	sld [smem:$0x3FBB];
	_ =	sdelay $0x3  }
0x34: {  	[smem:$0x3FBB] =	sst s10  }
0x35: {  	s10 =	sld [smem:$0x3FBA];
	_ =	sdelay $0x3  }
0x36: {  	p1 =	seq.s32 s10, $0x1;
	s10 =	sld [smem:$0x3FBB];
	_ =	sdelay $0x3  }
0x37: {  	[smem:$0x3FBB] =	sst s10  }
0x38: {  	s10 =	sld [smem:$0x3FBC]  }
0x39: {  	_ = 	snop;
	(pc) =	sbr.ind lr, $3  }
0x3a: {  	_ = 	snop  }
0x3b: {  	_ = 	snop  }
0x3c: {  	p2 =	seq.s32 s10, $0x1;
	s10 =	sld [smem:$0x3FBB]  }
0x3d: {  	_ =	shalt  }
0x3e: {  	_ =	shalt  }
0x3f: {  	_ =	shalt  }
0x40: {  	_ =	shalt  }
0x41: {  	_ =	shalt  }
0x42: {  	_ =	shalt  }
0x43: {  	_ =	shalt  }
0x44: {  	_ =	shalt  }
0x45: {  	_ =	shalt  }
0x46: {  	_ =	shalt  }
0x47: {  	_ =	shalt  }
0x48: {  	_ =	shalt  }
0x49: {  	_ =	shalt  }
0x4a: {  	_ =	shalt  }
0x4b: {  	_ =	shalt  }
0x4c: {  	_ =	shalt  }
0x4d: {  	_ =	shalt  }
0x4e: {  	_ =	shalt  }
0x4f: {  	_ =	shalt  }
0x50: {  	_ =	shalt  }
0x51: {  	_ =	shalt  }
0x52: {  	_ =	shalt  }
0x53: {  	_ =	shalt  }
0x54: {  	_ =	shalt  }
0x55: {  	_ =	shalt  }
0x56: {  	_ =	shalt  }
0x57: {  	_ =	shalt  }
0x58: {  	_ =	shalt  }
0x59: {  	_ =	shalt  }
0x5a: {  	_ =	shalt  }
0x5b: {  	_ =	shalt  }
0x5c: {  	_ =	shalt  }
0x5d: {  	_ =	shalt  }
0x5e: {  	_ =	shalt  }
0x5f: {  	_ =	shalt  }
0x60: {  	_ =	shalt  }
0x61: {  	_ =	shalt  }
0x62: {  	_ =	shalt  }
0x63: {  	_ =	shalt  }
0x64: {  	_ =	shalt  }
0x65: {  	_ =	shalt  }
0x66: {  	_ =	shalt  }
0x67: {  	_ =	shalt  }
0x68: {  	_ =	shalt  }
0x69: {  	_ =	shalt  }
0x6a: {  	_ =	shalt  }
0x6b: {  	_ =	shalt  }
0x6c: {  	_ =	shalt  }
0x6d: {  	_ =	shalt  }
0x6e: {  	_ =	shalt  }
0x6f: {  	_ =	shalt  }
0x70: {  	_ =	shalt  }
0x71: {  	_ =	shalt  }
0x72: {  	_ =	shalt  }
0x73: {  	_ =	shalt  }
0x74: {  	_ =	shalt  }
0x75: {  	_ =	shalt  }
0x76: {  	_ =	shalt  }
0x77: {  	_ =	shalt  }
0x78: {  	_ =	shalt  }
0x79: {  	_ =	shalt  }
0x7a: {  	_ =	shalt  }
0x7b: {  	_ =	shalt  }
0x7c: {  	_ =	shalt  }
0x7d: {  	_ =	shalt  }
0x7e: {  	_ =	shalt  }
0x7f: {  	_ =	shalt  }
0x80: {  	_ =	shalt  }
0x81: {  	_ =	shalt  }
0x82: {  	_ =	shalt  }
0x83: {  	_ =	shalt  }
0x84: {  	_ =	shalt  }
0x85: {  	_ =	shalt  }
0x86: {  	_ =	shalt  }
0x87: {  	_ =	shalt  }
.Lfunc_end0:
.L_simem_size_0:
called_computation_lowered:
.L_overlay_start_0:
0x88: {  	s2 =	sld [smem:$0x3FD9]  }
0x89: {  	s3 =	sld [smem:$0x3FFE];
	_ =	sdelay $0x1  }
0x8a: {  	s1 =	srdreg.scid  }
0x8b: {  	s0 =	sand.u32 $0x1, s1  }
0x8c: {  	s17 =	sshll.u32 s0, $0xA;
	s2 =	sadd.s32 s3, s2  }
0x8d: {  	s2 =	sadd.s32 s2, s17  }
0x8e: {  	[smem:$0x3FC7] =	sst s2  }
0x8f: {  	_ = 	snop  }
0x90: {  	s2 =	sld [smem:$0x3FC9];
	(tm) =	ssettm $0x1  }
0x91: {  	s18 =	sld [smem:$0x3FFB];
	_ =	sdelay $0x3  }
0x92: {  	_ =	strace s18  }
0x93: {  	s3 =	sld [smem:$0x3FFC];
	_ =	sdelay $0x3  }
0x94: {  	_ =	strace s3  }
0x95: {  	s3 =	sld [smem:$0x3FFD];
	_ =	sdelay $0x3  }
0x96: {  	_ =	strace s3  }
0x97: {  	_ =	strace $0x8FFFFFFF  }
0x98: {  	s19 =	sld [smem:$0x3FDB];
	_ =	sdelay $0x1  }
0x99: {  	s4 =	simm.s32 $_scs_section_size  }
0x9a: {  	s5 =	simm.s32 $_size__tile_overlayer_lowered;
	s6 =	simm.s32 $_tile_overlayer_lowered  }
0x9b: {  	s22 =	simm.s32 $0x1BFF;
	s21 =	sshll.u32 s6, $0x1;
	s3 =	sadd.s32 s4, s19  }
0x9c: {  	s7 =	simm.s32 $0x0;
	s20 =	sshll.u32 s5, $0x1;
	s5 =	sadd.s32 s21, s3  }
0x9d: {  	[timem:s7], [sflag:s22] =	dma.local [hbm:s5], s20  }
0x9e: {  	_ =	swait.ge [sflag:s22], s20  }
0x9f: {  	s4 =	ssub.s32 $0x0, s20;
	[sflag:s22] =	ssyncset.done $0x0  }
0xa0: {  	[sflag:s22] =	ssyncadd.s32 s4;
	_ =	sdelay $0x1  }
0xa1: {  	s23 =	simm.s32 $0x1B8B  }
0xa2: {  	_ =	swait.ge [sflag:s23], $0x1  }
0xa3: {  	[sflag:s23] =	ssyncset.done $0x0  }
0xa4: {  	s25 =	simm.s32 $0x1B8E;
	s24 =	sld [smem:$0x3FFE];
	[sflag:s23] =	ssyncadd.s32 $0xFFFFFFFF  }
0xa5: {  	s26 =	simm.s32 $execute0_lowered;
	[smem:$0x3FD2] =	sst s25  }
0xa6: {  	s5 =	sshll.u32 s26, $0x1;
	_ =	strace $0x80000046;
	[dreg:$0x1] =	wrdreg $0xFFFFFFFF  }
0xa7: {  	s28 =	simm.s32 $_size_execute0_lowered;
	s3 =	sadd.s32 s3, s5;
	[dreg:$0x0] =	wrdreg $0x0  }
0xa8: {  	s5 =	sshll.u32 s28, $0x1;
	[dreg:$0x2] =	wrdreg s3  }
0xa9: {  	[dreg:$0x3] =	wrdreg s5  }
0xaa: {  	[dreg:$0x4] =	wrdreg $0xC0  }
0xab: {  	_ =	task [dreg:s7], $0x5FFFF  }
0xac: {  	[dreg:$0x1] =	wrdreg $0xFFFFFFFF  }
0xad: {  	[dreg:$0x0] =	wrdreg $0x60  }
0xae: {  	[dreg:$0x2] =	wrdreg s2  }
0xaf: {  	[dreg:$0x3] =	wrdreg s24  }
0xb0: {  	[dreg:$0x4] =	wrdreg $0x9  }
0xb1: {  	_ =	task.clear_ibuf [dreg:s7], $0x5FFFF;
	_ =	strace $0x90000046  }
0xb2: {  	s29 =	simm.s32 $0x9;
	_ =	strace $0x80000048  }
0xb3: {  	_ =	swait.ge [sflag:s29], $0x1  }
0xb4: {  	[sflag:s29] =	ssyncadd.s32 $0xFFFFFFFF  }
0xb5: {  	_ =	strace $0x90000048  }
0xb6: {  	_ =	sfence  }
0xb7: {  	s30 =	sld [smem:$0x0];
	_ =	sdelay $0x2  }
0xb8: {  	s31 =	sshll.u32 s1, $0xD;
	s1 =	sshrl.u32 s1, $0x2  }
0xb9: {  	s3 =	sand.u32 $0x4000, s31;
	s1 =	sadd.s32 s1, s30  }
0xba: {  	s0 =	sor.u32 s3, s0;
	s1 =	sshll.u32 s1, $0x11  }
0xbb: {  	s0 =	sor.u32 s1, s0  }
0xbc: {  	s0 =	sadd.s32 $0x8F2B, s0  }
0xbd: {  	[sflag:s0] =	ssyncadd.remote.s32 $0x1  }
0xbe: {  	_ =	sfence.sel $0xFFFF  }
0xbf: {  	[dreg:$0x0] =	wrdreg $0xFFFFFFFF;
	(pc) =	sbr.abs _section_cstart, $3  }
0xc0: {  	[dreg:$0x1] =	wrdreg $0xFFFFFFFF  }
0xc1: {  	_ =	task.clear_ibuf [dreg:s7], $0x2FFFF;
	_ =	strace $0x9FFFFFFF  }
0xc2: {  	(tm) =	ssettm $0x7FFFFFFF  }
0xc3: {  	_ =	shalt  }
tec
execute0_lowered:
.L_overlay_start_1:
0x0: {  	(tag) =	ssettag $0x1  }
0x1: {  	s1 =	rddreg [dreg:$0x0]  }
0x2: {  	s4 =	rddreg [dreg:$0x1];
	s2 =	srdreg.scid  }
0x3: {  	s0 =	rddreg [dreg:$0x2];
	s3 =	simm.s32 $0x0;
	s9 =	simm.s32 $0x400  }
0x4: {  	s10 =	simm.s32 $0x1;
	s11 =	simm.s32 $0x13100;
	s12 =	simm.s32 $0x2  }
0x5: {  	s13 =	simm.s32 $0x0;
	s5 =	sand.u32 $0x1, s2;
	s2 =	stileid.u32  }
0x6: {  	[smem:$0x7FF] =	sst s3;
	s6 =	ssub.s32 $0x2, s5;
	s7 =	sshll.u32 s2, $0x7  }
.Ltmp0:
0x7: {  	_ =	strace $0x80000047;
	s29 =	sshll.u32 s2, $0x3;
	(pc) =	sbr.rel .LBB2_1-.Ltmp0, $4  }
0x8: {  	v0 =	vlaneseq.u32;
	s30 =	sshll.u32 s5, $0x2;
	s5 =	sshll.u32 s5, $0x6;
	s31 =	sshll.u32 s2, $0xF  }
0x9: {  	v2 =	vmul.u32 $0xFFFFFFFF, v0;
	s8 =	sshrl.u32 s6, $0x1;
	s7 =	sadd.s32 s7, s4;
	s5 =	sadd.s32 s1, s5  }
0xa: {  	s4 =	sor.u32 s30, s29;
	s8 =	ssub.s32 s6, s8;
	s5 =	sadd.s32 s31, s5  }
0xb: {  	v1 =	vimm.s32 $0x0;
	v2 =	vadd.s32 $0xF, v2;
	s6 =	sadd.s32 $0x400, s7;
	s7 =	smax.u32 s8, $0x1;
	s8 =	simm.s32 $0x80  }
.LBB2_15:
0xc: {  	s13 =	sadd.s32 $0x1, s13  }
0xd: {  	p0 =	sne.s32 s13, s7  }
.Ltmp1:
0xe: {  	_ = 	snop;
	(pc) =	sbr.rel @!p0 .LBB2_16-.Ltmp1, $1  }
0xf: {  	_ =	sdelay $0x3  }
.LBB2_1:
.Ltmp2:
0x10: {  	(pc) =	sbr.rel .LBB2_2-.Ltmp2, $3  }
0x11: {  	_ =	sdelay $0x1  }
0x12: {  	[tilespmem:s3], [sflag:$0x1] =	stream.strided.gather [hbm4b:s5+s8], $0x8000, s9, s8, $0x38;
	[tilespmem:$0x13180] =	vst v63  }
0x13: {  	p0 =	por $0x0, $0x0;
	s14 =	simm.s32 $0x0  }
.LBB2_8:
0x14: {  	_ = 	snop  }
.LBB2_13:
0x15: {  	v7, v8, _ =	vpop @p1 (xrf1)  }
0x16: {  	v9, v10, _ =	vpop @p2 (xrf1)  }
0x17: {  	v9 =	vpsel p2, v9, v4  }
0x18: {  	v10 =	vpsel p2, v10, v3;
	vm0 =	vge.f32 @p1 v9, v7  }
0x19: {  	(xrf1) =	vsort.dscd.msk.f32 $0xffff, v5, v6;
	v5 =	vsel @p1 vm0, v9, v7;
	v6 =	vsel @p1 vm0, v10, v8  }
0x1a: {  	(xrf1) =	vsort.ascd.msk.f32 @p1 $0xffff, v5, v6;
	_ =	sdelay $0xc  }
0x1b: {  	v5, v6, _ =	vpop (xrf1)  }
0x1c: {  	v7, v8, _ =	vpop @p1 (xrf1)  }
0x1d: {  	v4 =	vpsel p1, v7, v4  }
0x1e: {  	v3 =	vpsel p1, v8, v3;
	vm15 =	vge.f32 v4, v5  }
0x1f: {  	v4 =	vsel vm15, v4, v5;
	v3 =	vsel vm15, v3, v6  }
0x20: {  	(xrf1) =	vsort.ascd.msk.f32 $0xffff, v4, v3;
	_ =	sdelay $0xd  }
0x21: {  	v4, v3, _ =	vpop (xrf1)  }
.LBB2_14:
0x22: {  	v4 =	vshra.s32 v3, $0x1F  }
0x23: {  	v4 =	vshrl.u32 v4, $0x1C  }
0x24: {  	v4 =	vadd.s32 v4, v3  }
0x25: {  	v4 =	vshra.s32 v4, $0x4  }
0x26: {  	v5 =	vshll.u32 v4, $0x4  }
0x27: {  	vm0 =	vlt.s32 v3, $0x1;
	vm1 =	vne.s32 v3, v5  }
0x28: {  	vm0 =	vmand vm0, vm1  }
0x29: {  	v49 =	vsel vm0, $0xFFFFFFFF, v1  }
0x2a: {  	v4 =	vadd.s32 v49, v4  }
0x2b: {  	v4 =	vshll.u32 v4, $0x7  }
0x2c: {  	v3 =	vand.u32 $0xF, v3;
	v4 =	vadd.s32 s16, v4  }
0x2d: {  	v3 =	vor.u32 v3, v4;
	_ =	sdelay $0x4  }
0x2e: {  	v4 =	vld.idx.msk [tilespmem:v3+s3+$0x0], $0xffff;
	_ =	sdelay $0x4  }
0x2f: {  	(xrf1) =	vsort.ascd.msk.f32 $0xffff, v4, v4;
	_ =	sdelay $0x7  }
0x30: {  	v50 =	vor.u32 $0x10, v3;
	_ =	sdelay $0x4  }
0x31: {  	v4 =	vld.idx.msk [tilespmem:v50+s3+$0x0], $0xffff  }
0x32: {  	v51, _, _ =	vpop (xrf1)  }
0x33: {  	v5 =	vperm.xlane v51, v2;
	_ =	sdelay $0x1  }
0x34: {  	(xrf1) =	vsort.ascd.msk.f32 $0xffff, v5, v5  }
0x35: {  	(xrf1) =	vsort.ascd.msk.f32 $0xffff, v4, v4;
	_ =	sdelay $0x8  }
0x36: {  	v52 =	vor.u32 $0x20, v3;
	_ =	sdelay $0x3  }
0x37: {  	v5, _, _ =	vpop (xrf1)  }
0x38: {  	v4 =	vld.idx.msk [tilespmem:v52+s3+$0x0], $0xffff;
	v6, _, _ =	vpop (xrf1)  }
0x39: {  	v6 =	vperm.xlane v6, v2;
	_ =	sdelay $0x1  }
0x3a: {  	v5 =	vmax.f32 v5, v6  }
0x3b: {  	(xrf1) =	vsort.ascd.msk.f32 $0xffff, v5, v5  }
0x3c: {  	(xrf1) =	vsort.ascd.msk.f32 $0xffff, v4, v4;
	_ =	sdelay $0x8  }
0x3d: {  	v53 =	vor.u32 $0x30, v3;
	_ =	sdelay $0x3  }
0x3e: {  	v5, _, _ =	vpop (xrf1)  }
0x3f: {  	v4 =	vld.idx.msk [tilespmem:v53+s3+$0x0], $0xffff;
	v54, _, _ =	vpop (xrf1)  }
0x40: {  	v6 =	vperm.xlane v54, v2;
	_ =	sdelay $0x1  }
0x41: {  	v5 =	vmax.f32 v5, v6  }
0x42: {  	(xrf1) =	vsort.ascd.msk.f32 $0xffff, v5, v5  }
0x43: {  	(xrf1) =	vsort.ascd.msk.f32 $0xffff, v4, v4;
	_ =	sdelay $0x8  }
0x44: {  	v55 =	vor.u32 $0x40, v3;
	_ =	sdelay $0x3  }
0x45: {  	v5, _, _ =	vpop (xrf1)  }
0x46: {  	v4 =	vld.idx.msk [tilespmem:v55+s3+$0x0], $0xffff;
	v56, _, _ =	vpop (xrf1)  }
0x47: {  	v6 =	vperm.xlane v56, v2;
	_ =	sdelay $0x1  }
0x48: {  	v5 =	vmax.f32 v5, v6  }
0x49: {  	(xrf1) =	vsort.ascd.msk.f32 $0xffff, v5, v5  }
0x4a: {  	(xrf1) =	vsort.ascd.msk.f32 $0xffff, v4, v4;
	_ =	sdelay $0x8  }
0x4b: {  	v57 =	vor.u32 $0x50, v3;
	_ =	sdelay $0x3  }
0x4c: {  	v5, _, _ =	vpop (xrf1)  }
0x4d: {  	v4 =	vld.idx.msk [tilespmem:v57+s3+$0x0], $0xffff;
	v58, _, _ =	vpop (xrf1)  }
0x4e: {  	v6 =	vperm.xlane v58, v2;
	_ =	sdelay $0x1  }
0x4f: {  	v5 =	vmax.f32 v5, v6  }
0x50: {  	(xrf1) =	vsort.ascd.msk.f32 $0xffff, v5, v5  }
0x51: {  	(xrf1) =	vsort.ascd.msk.f32 $0xffff, v4, v4;
	_ =	sdelay $0x8  }
0x52: {  	v59 =	vor.u32 $0x60, v3;
	_ =	sdelay $0x3  }
0x53: {  	v5, _, _ =	vpop (xrf1)  }
0x54: {  	v4 =	vld.idx.msk [tilespmem:v59+s3+$0x0], $0xffff;
	v60, _, _ =	vpop (xrf1)  }
0x55: {  	v6 =	vperm.xlane v60, v2;
	_ =	sdelay $0x1  }
0x56: {  	v5 =	vmax.f32 v5, v6  }
0x57: {  	(xrf1) =	vsort.ascd.msk.f32 $0xffff, v5, v5  }
0x58: {  	(xrf1) =	vsort.ascd.msk.f32 $0xffff, v4, v4;
	_ =	sdelay $0x8  }
0x59: {  	v3 =	vor.u32 $0x70, v3;
	_ =	sdelay $0x3  }
0x5a: {  	v61, _, _ =	vpop (xrf1)  }
0x5b: {  	v3 =	vld.idx.msk [tilespmem:v3+s3+$0x0], $0xffff;
	v62, _, _ =	vpop (xrf1)  }
0x5c: {  	v5 =	vperm.xlane v62, v2;
	_ =	sdelay $0x1  }
0x5d: {  	v4 =	vmax.f32 v61, v5  }
0x5e: {  	(xrf1) =	vsort.ascd.msk.f32 $0xffff, v4, v4  }
0x5f: {  	(xrf1) =	vsort.ascd.msk.f32 $0xffff, v3, v3;
	_ =	sdelay $0xc  }
0x60: {  	v3, _, _ =	vpop (xrf1)  }
0x61: {  	v63, _, _ =	vpop (xrf1)  }
0x62: {  	v4 =	vperm.xlane v63, v2;
	_ =	sdelay $0x1  }
0x63: {  	v3 =	vmax.f32 v3, v4  }
0x64: {  	(xrf1) =	vsort.ascd.msk.f32 $0xffff, v3, v3;
	_ =	sdelay $0xd  }
0x65: {  	v3, _, _ =	vpop (xrf1)  }
0x66: {  	v3 =	vperm.xlane v3, v2  }
0x67: {  	p1 =	sne.s32 s14, $0x4  }
.Ltmp3:
0x68: {  	s15 =	sadd.s32 s15, s6;
	[tilespmem:$0x13100] =	vst v3;
	(pc) =	sbr.rel @!p1 .LBB2_15-.Ltmp3, $4  }
0x69: {  	[hbm4b:s15+s3] =	stream.linear.scatter [tilespmem:s11], [sflag:$0x2], $0x80, $0x38;
	[tilespmem:$0x13180] =	vst v63  }
0x6a: {  	_ =	swait.ge [sflag:s12], $0x80  }
0x6b: {  	[sflag:s12] =	ssyncset.done $0x0  }
0x6c: {  	p0 =	por !p0, !p0;
	[sflag:s12] =	ssyncadd.s32 $0xFFFFFF80  }
.LBB2_2:
0x6d: {  	s15 =	simm.s32 $0x1  }
0x6e: {  	s16 =	smov.u32 s14;
	_ =	swait.ge [sflag:s10], $0x8000;
	s15 =	simm.s32 @!p0 $0x0  }
0x6f: {  	p1 =	seq.s32 s16, $0x3;
	s31 =	sshll.u32 s15, $0xF;
	s15 =	sadd.s32 s4, s16  }
0x70: {  	[sflag:s10] =	ssyncset.done $0x0;
	s14 =	sadd.s32 $0x1, s16;
	s18 =	sadd.s32 @!p1 $0x1, s15  }
0x71: {  	[sflag:s10] =	ssyncadd.s32 $0xFFFF8000;
	s20 =	sshll.u32 @!p1 s14, $0xF;
	s19 =	sshll.u32 @!p1 s18, $0x4  }
0x72: {  	s21 =	simm.s32 @!p1 $0x400;
	s18 =	sshll.u32 @!p1 s18, $0xC;
	s19 =	sand.u32 @!p1 $0x70, s19  }
0x73: {  	s17 =	sor.u32 $0x80, s31;
	s18 =	sand.u32 @!p1 $0xFFF8000, s18;
	s19 =	sadd.s32 @!p1 s1, s19  }
0x74: {  	s20 =	sand.u32 @!p1 $0x8000, s20;
	s18 =	sadd.s32 @!p1 s18, s19;
	s19 =	simm.s32 @!p1 $0x80  }
0x75: {  	[tilespmem:s20], [sflag:$0x1] =	stream.strided.gather @!p1 [hbm4b:s18+s19], $0x8000, s21, s19, $0x38;
	[tilespmem:$0x13180] =	vst v63  }
0x76: {  	v3 =	vld [tilespmem:s17+$0xFFFFFF80]  }
0x77: {  	v4 =	vld [tilespmem:s17+$0xFFFFFFF0]  }
0x78: {  	v5 =	vld [tilespmem:s17+$0xFFFFFFE0]  }
0x79: {  	v6 =	vld [tilespmem:s17+$0xFFFFFFD0]  }
0x7a: {  	v7 =	vld [tilespmem:s17+$0xFFFFFFC0]  }
0x7b: {  	v8 =	vld [tilespmem:s17+$0xFFFFFFB0]  }
0x7c: {  	v9 =	vld [tilespmem:s17+$0xFFFFFFA0]  }
0x7d: {  	v10 =	vld [tilespmem:s17+$0xFFFFFF90];
	_ =	sdelay $0x3  }
0x7e: {  	v4 =	vmax.f32 v5, v4  }
0x7f: {  	v5 =	vmax.f32 v7, v6;
	v6 =	vmax.f32 v9, v8;
	v3 =	vmax.f32 v3, v10  }
0x80: {  	v3 =	vmax.f32 v3, v6;
	v4 =	vmax.f32 v5, v4  }
0x81: {  	s18 =	simm.s32 $0x10010;
	v4 =	vmax.f32 v3, v4  }
0x82: {  	[tilespmem:s18+$0xFFFFFFF0] =	vst v4  }
0x83: {  	v5 =	vld [tilespmem:s17+$0x20]  }
0x84: {  	v7 =	vld [tilespmem:s17+$0x50]  }
0x85: {  	v8 =	vld [tilespmem:s17+$0x70]  }
0x86: {  	v6 =	vld [tilespmem:s17+$0x10]  }
0x87: {  	v9 =	vld [tilespmem:s17+$0x60]  }
0x88: {  	s16 =	sshll.u32 s16, $0xF;
	v10 =	vld [tilespmem:s17+$0x40]  }
0x89: {  	s16 =	sand.u32 $0x8000, s16;
	s15 =	sshll.u32 s15, $0x4;
	v11 =	vld [tilespmem:s17+$0x30]  }
0x8a: {  	s15 =	sand.u32 $0x70, s15;
	s20 =	simm.s32 $0x0;
	s19 =	simm.s32 $0x10010;
	v3 =	vimm.f32 $-Inf;
	v12 =	vld [tilespmem:s17+$0x0]  }
.LBB2_3:
0x8b: {  	s20 =	sadd.s32 $0x2, s20;
	s18 =	sadd.s32 $0x20, s18;
	s17 =	sadd.s32 $0x100, s17  }
0x8c: {  	p1 =	slt.u32 s20, $0xFE;
	v8 =	vmax.f32 v9, v8  }
0x8d: {  	v7 =	vmax.f32 v10, v7  }
0x8e: {  	v5 =	vmax.f32 v5, v11;
	v7 =	vmax.f32 v7, v8  }
0x8f: {  	v6 =	vmax.f32 v12, v6  }
0x90: {  	v3 =	vmax.f32 v3, v4;
	v4 =	vmax.f32 v6, v5  }
0x91: {  	v4 =	vmax.f32 v4, v7  }
0x92: {  	[tilespmem:s19+$0x0] =	vst v4;
	v3 =	vmax.f32 v3, v4;
	s19 =	smov.u32 s18  }
0x93: {  	v4 =	vld [tilespmem:s17+$0xFFFFFF80]  }
0x94: {  	v5 =	vld [tilespmem:s17+$0xFFFFFFF0]  }
0x95: {  	v6 =	vld [tilespmem:s17+$0xFFFFFFE0]  }
0x96: {  	v7 =	vld [tilespmem:s17+$0xFFFFFFD0]  }
0x97: {  	v8 =	vld [tilespmem:s17+$0xFFFFFFC0]  }
0x98: {  	v9 =	vld [tilespmem:s17+$0xFFFFFFB0]  }
0x99: {  	v10 =	vld [tilespmem:s17+$0xFFFFFFA0]  }
0x9a: {  	v11 =	vld [tilespmem:s17+$0xFFFFFF90];
	v5 =	vmax.f32 v6, v5;
	_ =	sdelay $0x1  }
0x9b: {  	v6 =	vmax.f32 v8, v7;
	_ =	sdelay $0x1  }
0x9c: {  	v7 =	vmax.f32 v10, v9  }
0x9d: {  	v4 =	vmax.f32 v4, v11  }
0x9e: {  	v5 =	vmax.f32 v6, v5;
	v4 =	vmax.f32 v4, v7  }
0x9f: {  	v4 =	vmax.f32 v4, v5  }
0xa0: {  	[tilespmem:s18+$0xFFFFFFF0] =	vst v4  }
0xa1: {  	v5 =	vld [tilespmem:s17+$0x20]  }
0xa2: {  	v7 =	vld [tilespmem:s17+$0x50]  }
0xa3: {  	v8 =	vld [tilespmem:s17+$0x70]  }
.Ltmp4:
0xa4: {  	v6 =	vld [tilespmem:s17+$0x10];
	(pc) =	sbr.rel @p1 .LBB2_3-.Ltmp4, $4  }
0xa5: {  	v9 =	vld [tilespmem:s17+$0x60]  }
0xa6: {  	v10 =	vld [tilespmem:s17+$0x40]  }
0xa7: {  	v11 =	vld [tilespmem:s17+$0x30]  }
0xa8: {  	v12 =	vld [tilespmem:s17+$0x0]  }
0xa9: {  	_ =	sdelay $0x2  }
0xaa: {  	v8 =	vmax.f32 v9, v8  }
0xab: {  	v7 =	vmax.f32 v10, v7;
	v5 =	vmax.f32 v5, v11;
	v6 =	vmax.f32 v12, v6  }
0xac: {  	v7 =	vmax.f32 v7, v8;
	v5 =	vmax.f32 v6, v5  }
0xad: {  	v3 =	vmax.f32 v3, v4;
	v4 =	vmax.f32 v5, v7  }
0xae: {  	v3 =	vmax.f32 v3, v4  }
0xaf: {  	(xrf0) =	vmin.scan.msk.f32 $0xffff, v3;
	_ =	sdelay $0x2  }
0xb0: {  	s17 =	simm.s32 $0x10010;
	[tilespmem:s19+$0x0] =	vst v4  }
0xb1: {  	v4 =	vld [tilespmem:s17+$0xFFFFFFF0];
	_ =	sdelay $0x1  }
0xb2: {  	v3, _, _ =	vpop (xrf0)  }
0xb3: {  	v3 =	vbroadcast v3, $0xF;
	_ =	sdelay $0x1  }
0xb4: {  	s18 =	simm.s32 $0x0;
	s29 =	simm.s32 $0x0;
	vm0 =	vge.f32 v4, v3  }
0xb5: {  	[tilespmem:s18+$0x11000] =	vst.msk vm0, v4;
	v4 =	vor.u32 s29, v0;
	v5 =	vmpcnt.ones.xlane vm0  }
0xb6: {  	[tilespmem:s18+$0x12080] =	vst.msk vm0, v4  }
0xb7: {  	v4 =	vld [tilespmem:s17+$0x0];
	(v2sf) =	vpush v5, $0x0;
	_ =	sdelay $0x4  }
0xb8: {  	vm15 =	vge.f32 v4, v3  }
0xb9: {  	v5 =	vmpcnt.ones.xlane vm15;
	_ =	sdelay $0x1  }
0xba: {  	(v2sf) =	vpush v5, $0x0;
	_ =	sdelay $0x6  }
0xbb: {  	s30 =	spop (v2sf)  }
0xbc: {  	s31 =	simm.s32 $0x10;
	s20 =	sadd.s32 $0x0, s30  }
0xbd: {  	[tilespmem:s20+$0x11000] =	vst.msk vm15, v4;
	v4 =	vor.u32 s31, v0  }
0xbe: {  	s18 =	simm.s32 $0x10030;
	[tilespmem:s20+$0x12080] =	vst.msk vm15, v4  }
0xbf: {  	v4 =	vld [tilespmem:s18+$0xFFFFFFF0];
	_ =	sdelay $0x3  }
0xc0: {  	s19 =	simm.s32 $0x2;
	s17 =	simm.s32 $0x30;
	s21 =	spop (v2sf)  }
.LBB2_5:
0xc1: {  	s19 =	sadd.s32 $0x2, s19;
	s22 =	sadd.s32 $0xFFFFFFF0, s17;
	vm0 =	vge.f32 v4, v3;
	s20 =	sadd.s32 s20, s21  }
0xc2: {  	p1 =	slt.u32 s19, $0xFE;
	[tilespmem:s20+$0x11000] =	vst.msk vm0, v4;
	v4 =	vor.u32 s22, v0;
	v5 =	vmpcnt.ones.xlane vm0  }
0xc3: {  	[tilespmem:s20+$0x12080] =	vst.msk vm0, v4  }
0xc4: {  	v4 =	vld [tilespmem:s18+$0x0];
	(v2sf) =	vpush v5, $0x0;
	_ =	sdelay $0x4  }
0xc5: {  	vm0 =	vge.f32 v4, v3  }
0xc6: {  	v5 =	vmpcnt.ones.xlane vm0;
	_ =	sdelay $0x1  }
0xc7: {  	(v2sf) =	vpush v5, $0x0;
	_ =	sdelay $0x6  }
0xc8: {  	s21 =	spop (v2sf)  }
0xc9: {  	s20 =	sadd.s32 s20, s21  }
0xca: {  	[tilespmem:s20+$0x11000] =	vst.msk vm0, v4;
	v4 =	vor.u32 s17, v0  }
0xcb: {  	s18 =	sadd.s32 $0x20, s18;
	[tilespmem:s20+$0x12080] =	vst.msk vm0, v4  }
.Ltmp5:
0xcc: {  	v4 =	vld [tilespmem:s18+$0xFFFFFFF0];
	(pc) =	sbr.rel @p1 .LBB2_5-.Ltmp5, $2  }
0xcd: {  	_ =	sdelay $0x2  }
0xce: {  	s17 =	sadd.s32 $0x20, s17;
	s21 =	spop (v2sf)  }
0xcf: {  	s19 =	sadd.s32 $0xFFFFFFF0, s17;
	vm0 =	vge.f32 v4, v3;
	s20 =	sadd.s32 s20, s21  }
0xd0: {  	[tilespmem:s20+$0x11000] =	vst.msk vm0, v4;
	v4 =	vor.u32 s19, v0  }
0xd1: {  	[tilespmem:s20+$0x12080] =	vst.msk vm0, v4  }
0xd2: {  	v4 =	vld [tilespmem:s18+$0x0];
	_ =	sdelay $0x4  }
0xd3: {  	v5 =	vmpcnt.ones.xlane vm0;
	vm15 =	vge.f32 v4, v3  }
0xd4: {  	v3 =	vmpcnt.ones.xlane vm15  }
0xd5: {  	(v2sf) =	vpush v5, $0x0  }
0xd6: {  	(v2sf) =	vpush v3, $0x0;
	_ =	sdelay $0xd  }
0xd7: {  	s25 =	spop (v2sf)  }
0xd8: {  	s18 =	sadd.s32 s20, s25;
	s26 =	spop (v2sf)  }
0xd9: {  	s19 =	sadd.s32 s18, s26  }
0xda: {  	s28 =	sadd.s32 $0xF, s19  }
0xdb: {  	s29 =	sand.u32 $0xF, s28  }
0xdc: {  	s30 =	sshra.s32 s28, $0x1F;
	p2 =	slt.s32 s28, $0x1;
	p1 =	sne.s32 s29, $0x0  }
0xdd: {  	s21 =	sshrl.u32 s30, $0x1C;
	p1 =	por !p2, !p1  }
0xde: {  	s20 =	sadd.s32 s21, s28;
	s21 =	simm.s32 $0x1;
	p1 =	por !p1, !p1  }
0xdf: {  	s31 =	sshra.s32 s20, $0x4;
	s21 =	simm.s32 @!p1 $0x0  }
0xe0: {  	v3 =	vor.u32 s17, v0;
	s17 =	ssub.s32 s31, s21  }
0xe1: {  	p1 =	slt.s32 s17, $0x1  }
.Ltmp6:
0xe2: {  	_ = 	snop;
	(pc) =	sbr.rel @p1 .LBB2_14-.Ltmp6, $4  }
0xe3: {  	[tilespmem:s18+$0x11000] =	vst.msk vm15, v4  }
0xe4: {  	v4 =	vimm.f32 $-Inf;
	[tilespmem:s18+$0x12080] =	vst.msk vm15, v3  }
0xe5: {  	v3 =	vimm.s32 $0x0;
	[tilespmem:s19+$0x11000] =	vst v4  }
0xe6: {  	[tilespmem:s19+$0x12080] =	vst v3  }
0xe7: {  	p3 =	sne.s32 s17, $0x1  }
.Ltmp7:
0xe8: {  	_ = 	snop;
	(pc) =	sbr.rel @!p3 .LBB2_8-.Ltmp7, $4  }
0xe9: {  	_ = 	snop  }
0xea: {  	s18 =	simm.s32 $0x11000  }
0xeb: {  	s19 =	simm.s32 $0x12080;
	v5 =	vld [tilespmem:s18+$0x0]  }
0xec: {  	s17 =	sadd.s32 $0xFFFFFFFF, s17;
	p1 =	por $0x0, $0x0;
	p2 =	por $0x0, $0x0;
	v6 =	vld [tilespmem:s19+$0x0]  }
0xed: {  	_ =	sdelay $0x3  }
0xee: {  	(xrf1) =	vsort.dscd.msk.f32 $0xffff, v5, v6;
	_ =	sdelay $0x7  }
0xef: {  	p3 =	sne.s32 s17, $0x1  }
.Ltmp8:
0xf0: {  	_ = 	snop;
	(pc) =	sbr.rel @!p3 .LBB2_10-.Ltmp8, $4  }
0xf1: {  	_ = 	snop  }
0xf2: {  	s18 =	simm.s32 $0x11010  }
0xf3: {  	s31 =	simm.s32 $0x12090;
	v5 =	vld [tilespmem:s18+$0x0]  }
0xf4: {  	s19 =	sadd.s32 $0xFFFFFFFF, s17;
	p1 =	por $0x1, $0x1;
	v6 =	vld [tilespmem:s31+$0x0]  }
0xf5: {  	_ =	sdelay $0x1  }
0xf6: {  	v7, v8, _ =	vpop (xrf1)  }
0xf7: {  	vm0 =	vge.f32 v4, v7  }
0xf8: {  	(xrf1) =	vsort.dscd.msk.f32 $0xffff, v5, v6;
	v6 =	vsel vm0, v4, v7;
	v7 =	vsel vm0, v3, v8  }
0xf9: {  	(xrf1) =	vsort.ascd.msk.f32 $0xffff, v6, v7;
	_ =	sdelay $0x6  }
0xfa: {  	p3 =	sne.s32 s19, $0x1  }
.Ltmp9:
0xfb: {  	_ = 	snop;
	(pc) =	sbr.rel @!p3 .LBB2_13-.Ltmp9, $4  }
0xfc: {  	s17 =	simm.s32 $0x11020  }
0xfd: {  	s18 =	simm.s32 $0x120A0;
	v5 =	vld [tilespmem:s17+$0x0]  }
0xfe: {  	v6 =	vld [tilespmem:s18+$0x0]  }
0xff: {  	s19 =	sadd.s32 $0xFFFFFFFF, s19;
	p2 =	por $0x1, $0x1  }
.LBB2_12:
0x100: {  	p3 =	sne.s32 s19, $0x1;
	v7, v8, _ =	vpop (xrf1)  }
0x101: {  	v9, v10, _ =	vpop (xrf1)  }
0x102: {  	vm0 =	vge.f32 v9, v7  }
0x103: {  	(xrf1) =	vsort.dscd.msk.f32 $0xffff, v5, v6;
	v5 =	vsel vm0, v9, v7;
	v6 =	vsel vm0, v10, v8  }
0x104: {  	(xrf1) =	vsort.ascd.msk.f32 $0xffff, v5, v6;
	_ =	sdelay $0x7  }
.Ltmp10:
0x105: {  	(pc) =	sbr.rel @p3 .LBB2_12-.Ltmp10, $4  }
0x106: {  	s17 =	sadd.s32 $0x10, s17  }
0x107: {  	s18 =	sadd.s32 $0x10, s18;
	v5 =	vld [tilespmem:s17+$0x0]  }
0x108: {  	v6 =	vld [tilespmem:s18+$0x0]  }
0x109: {  	s19 =	sadd.s32 $0xFFFFFFFF, s19  }
.Ltmp11:
0x10a: {  	_ = 	snop;
	(pc) =	sbr.rel .LBB2_13-.Ltmp11, $1  }
0x10b: {  	_ =	sdelay $0x3  }
.LBB2_10:
.Ltmp12:
0x10c: {  	(pc) =	sbr.rel .LBB2_13-.Ltmp12, $2  }
0x10d: {  	_ =	sdelay $0x2  }
0x10e: {  	_ = 	snop  }
.LBB2_16:
0x10f: {  	_ =	sfence.sel $0x180000  }
0x110: {  	[bflag:$0x0] =	sbarrier.arrive $0xFFFF  }
0x111: {  	p0 =	sne.s32 s2, $0x0;
	_ =	strace $0x90000047  }
0x112: {  	s0 =	sadd.s32 @!p0 $0x100000, s0;
	[bflag:$0x2] =	sbarrier.arrive $0xFFFF  }
0x113: {  	[sflag:s0] =	ssyncadd.tile.s32 @!p0 $0x1;
	_ =	shalt  }
.Lfunc_end2:
_tile_overlayer_lowered:
.L_overlay_start_2:
0x114: {  	(tag) =	ssettag $0x2  }
0x115: {  	s0 =	rddreg [dreg:$0x0];
	s2 =	stileid.u32  }
0x116: {  	s1 =	rddreg [dreg:$0x1];
	p0 =	sne.s32 s2, $0x0  }
0x117: {  	s3 =	rddreg [dreg:$0x2];
	[bflag:$0x3] =	sbarrier.arrive $0xFFFF;
	s2 =	simm.s32 @!p0 $0x1C02  }
0x118: {  	[timem:s3], [sflag:s2] =	dma.local @!p0 [hbm:s0], s1  }
0x119: {  	s0 =	simm.s32 @!p0 $0x2  }
0x11a: {  	_ =	swait.ge @!p0 [sflag:s0], s1  }
0x11b: {  	s1 =	ssub.s32 @!p0 $0x0, s1;
	[sflag:s0] =	ssyncset.done @!p0 $0x0  }
0x11c: {  	[sflag:s0] =	ssyncadd.s32 @!p0 s1  }
0x11d: {  	[bflag:$0x3] =	sbarrier.arrive $0xFFFF  }
0x11e: {  	_ =	shalt  }

</sc_bundles>
